<compile_context>
chip_gen: v7x
topology: tpu7x:2x2x1
jax: 0.10.2.dev20260603
libtpu: 0.0.44.dev20260713+nightly
codegen_flags: <defaults>
</compile_context>

<pallas_src>
import functools

import jax
import jax.numpy as jnp
from jax import lax
from jax.experimental import pallas as pl
from jax.experimental.pallas import tpu as pltpu
from jax.experimental.pallas import tpu_sc as plsc

_L = 2048
_NSUB = 32
_V = 16


def _expert_body(xt_ref, wg_ref, bg_ref, w1_ref, b1_ref, w2_ref, b2_ref,
                 w3_ref, b3_ref, lg_ref, eo_ref):
    f32 = jnp.float32
    bf16 = jnp.bfloat16
    xtb = xt_ref[...]
    lg_ref[...] = (jnp.dot(wg_ref[...], xtb, preferred_element_type=f32)
                   + bg_ref[...])
    h1 = jnp.maximum(
        jnp.dot(w1_ref[...], xtb.astype(bf16), preferred_element_type=f32)
        + b1_ref[...], 0.0)
    h1 = h1.astype(bf16)
    h2a = jnp.maximum(
        jnp.dot(w2_ref[0], h1[:256], preferred_element_type=f32)
        + b2_ref[:256], 0.0)
    h2b = jnp.maximum(
        jnp.dot(w2_ref[1], h1[256:], preferred_element_type=f32)
        + b2_ref[256:], 0.0)
    eo_ref[...] = (
        jnp.dot(w3_ref[:, :256], h2a.astype(bf16), preferred_element_type=f32)
        + jnp.dot(w3_ref[:, 256:], h2b.astype(bf16), preferred_element_type=f32)
        + b3_ref[...])


def _make_route_combine(n, e, c):
    mesh = plsc.VectorSubcoreMesh(core_axis_name="c", subcore_axis_name="s")

    @functools.partial(
        pl.kernel, mesh=mesh,
        out_type=jax.ShapeDtypeStruct((n,), jnp.float32),
        scratch_types=[
            pltpu.VMEM((e * c,), jnp.float32),
            pltpu.VMEM((e * c,), jnp.float32),
            pltpu.VMEM((c,), jnp.float32),
        ],
    )
    def route_combine(lg_hbm, eo_hbm, out_hbm, lbuf, eobuf, obuf):
        wid = lax.axis_index("s") * 2 + lax.axis_index("c")
        base = wid * c
        for ee in range(e):
            pltpu.sync_copy(lg_hbm.at[pl.ds(ee * n + base, c)],
                            lbuf.at[pl.ds(ee * c, c)])
            pltpu.sync_copy(eo_hbm.at[pl.ds(ee * n + base, c)],
                            eobuf.at[pl.ds(ee * c, c)])

        def group(jg, carry):
            j0 = jg * _V
            ls = [lbuf[pl.ds(ee * c + j0, _V)] for ee in range(e)]
            v1 = ls[0]
            i1 = jnp.zeros((_V,), jnp.float32)
            for ee in range(1, e):
                cc = ls[ee] > v1
                v1 = jnp.where(cc, ls[ee], v1)
                i1 = jnp.where(cc, float(ee), i1)
            v2 = jnp.full((_V,), -jnp.inf, jnp.float32)
            i2 = jnp.zeros((_V,), jnp.float32)
            for ee in range(e):
                cc = jnp.logical_and(ls[ee] > v2, i1 != float(ee))
                v2 = jnp.where(cc, ls[ee], v2)
                i2 = jnp.where(cc, float(ee), i2)
            g1 = 1.0 / (1.0 + jnp.exp(v2 - v1))
            g2 = 1.0 - g1
            zz = jnp.zeros((_V,), jnp.float32)
            acc = zz
            for ee in range(e):
                we = jnp.where(i1 == float(ee), g1,
                               jnp.where(i2 == float(ee), g2, zz))
                acc = acc + we * eobuf[pl.ds(ee * c + j0, _V)]
            obuf[pl.ds(j0, _V)] = acc
            return carry

        lax.fori_loop(0, c // _V, group, 0)
        pltpu.sync_copy(obuf, out_hbm.at[pl.ds(base, c)])

    return route_combine


@jax.jit
def kernel(x, Wg, bg, W1, b1, W2, b2, W3, b3):
    n, d = x.shape
    e, _, h = W1.shape
    g = 4
    ng = e // g
    bf16 = jnp.bfloat16
    c = n // _NSUB

    xt = x.T
    wgt = Wg.T
    bgc = bg.reshape(e, 1)
    w1t = W1.transpose(0, 2, 1).reshape(e * h, d).astype(bf16)
    b1c = b1.reshape(e * h, 1)
    eyeg = jnp.eye(g, dtype=W2.dtype)
    w2t = jnp.einsum('ij,gjhk->gikjh', eyeg,
                     W2.reshape(ng, g, h, h)).reshape(ng, g * h, g * h)
    w2t = w2t.astype(bf16)
    b2c = b2.reshape(e * h, 1)
    w3t = jnp.einsum('eh,ef->efh', W3[:, :, 0],
                     jnp.eye(e, dtype=W3.dtype)).reshape(e, e * h).astype(bf16)
    b3c = b3.reshape(e, 1)

    nstep = n // _L
    lg, eo = pl.pallas_call(
        _expert_body,
        grid=(nstep,),
        in_specs=[
            pl.BlockSpec((d, _L), lambda i: (0, i)),
            pl.BlockSpec((e, d), lambda i: (0, 0)),
            pl.BlockSpec((e, 1), lambda i: (0, 0)),
            pl.BlockSpec((e * h, d), lambda i: (0, 0)),
            pl.BlockSpec((e * h, 1), lambda i: (0, 0)),
            pl.BlockSpec((ng, g * h, g * h), lambda i: (0, 0, 0)),
            pl.BlockSpec((e * h, 1), lambda i: (0, 0)),
            pl.BlockSpec((e, e * h), lambda i: (0, 0)),
            pl.BlockSpec((e, 1), lambda i: (0, 0)),
        ],
        out_specs=[
            pl.BlockSpec((e, _L), lambda i: (0, i)),
            pl.BlockSpec((e, _L), lambda i: (0, i)),
        ],
        out_shape=[
            jax.ShapeDtypeStruct((e, n), jnp.float32),
            jax.ShapeDtypeStruct((e, n), jnp.float32),
        ],
        compiler_params=pltpu.CompilerParams(
            dimension_semantics=("arbitrary",)),
    )(xt, wgt, bgc, w1t, b1c, w2t, b2c, w3t, b3c)

    lf = lg.reshape(-1)
    eof = eo.reshape(-1)
    out = _make_route_combine(n, e, c)(lf, eof)
    return out.reshape(n, 1)

# --- scband reference (transcript-rebuilt; emitter-appended) ---
"""Pipeline reference for scband-mo-ebaseline-31851477467550 (READ-ONLY COPY).

The authoritative reference and input builder live on the scoring server;
editing this copy changes nothing except your own understanding.
"""

import jax, jax.numpy as jnp
import numpy as np

NUM_EXPERTS = 8
TOP_K = 2
INPUT_DIM = 10
HIDDEN = 64
OUT_DIM = 1
N_TOKENS = 32768


def setup_inputs(seed: int = 0) -> dict:
    key = jax.random.key(seed)
    ks = jax.random.split(key, 8)
    x = jax.random.normal(ks[0], (N_TOKENS, INPUT_DIM), dtype=jnp.float32)
    # Router / gate: Linear(input_dim -> num_experts)
    Wg = jax.random.normal(ks[1], (INPUT_DIM, NUM_EXPERTS), dtype=jnp.float32) * (1.0 / np.sqrt(INPUT_DIM))
    bg = jnp.zeros((NUM_EXPERTS,), dtype=jnp.float32)
    # Each expert is a copy of the base MLP: Linear(10,64) -> ReLU -> Linear(64,64) -> ReLU -> Linear(64,1)
    W1 = jax.random.normal(ks[2], (NUM_EXPERTS, INPUT_DIM, HIDDEN), dtype=jnp.float32) * (1.0 / np.sqrt(INPUT_DIM))
    b1 = jnp.zeros((NUM_EXPERTS, HIDDEN), dtype=jnp.float32)
    W2 = jax.random.normal(ks[3], (NUM_EXPERTS, HIDDEN, HIDDEN), dtype=jnp.float32) * (1.0 / np.sqrt(HIDDEN))
    b2 = jnp.zeros((NUM_EXPERTS, HIDDEN), dtype=jnp.float32)
    W3 = jax.random.normal(ks[4], (NUM_EXPERTS, HIDDEN, OUT_DIM), dtype=jnp.float32) * (1.0 / np.sqrt(HIDDEN))
    b3 = jnp.zeros((NUM_EXPERTS, OUT_DIM), dtype=jnp.float32)
    return {"x": x, "Wg": Wg, "bg": bg, "W1": W1, "b1": b1, "W2": W2, "b2": b2, "W3": W3, "b3": b3}


def reference(x, Wg, bg, W1, b1, W2, b2, W3, b3):
    # Router: gate logits over experts, keep top-k, renormalize with softmax over the kept logits.
    logits = x @ Wg + bg                                  # [N, E]
    topv, topi = jax.lax.top_k(logits, TOP_K)             # [N, k], [N, k]
    gate_w = jax.nn.softmax(topv, axis=-1)                # [N, k]
    n = logits.shape[0]
    dense_gates = jnp.zeros_like(logits).at[jnp.arange(n)[:, None], topi].set(gate_w)  # [N, E], sparse in E
    # Expert MLPs (computed densely; non-selected experts get zero gate weight, matching sparse dispatch math).
    h1 = jax.nn.relu(jnp.einsum('nd,edh->enh', x, W1) + b1[:, None, :])   # [E, N, H]
    h2 = jax.nn.relu(jnp.einsum('enh,ehk->enk', h1, W2) + b2[:, None, :]) # [E, N, H]
    eo = jnp.einsum('enk,eko->eno', h2, W3) + b3[:, None, :]              # [E, N, 1]
    out = jnp.einsum('ne,eno->no', dense_gates, eo)                       # [N, 1]
    return out

if __name__ == "__main__":
    import jax
    _d = setup_inputs()
    print(jax.jit(kernel)(*tuple(_d.values())))

</pallas_src>

<mosaic_0001>
#map = affine_map<(d0, d1) -> (0)>
module attributes {stable_mosaic.version = 14 : i64} {
  func.func @route_combine(%arg0: i32, %arg1: i32, %arg2: memref<262144xf32, #tpu.memory_space<hbm>>, %arg3: memref<262144xf32, #tpu.memory_space<hbm>>, %arg4: memref<32768xf32, #tpu.memory_space<hbm>>, %arg5: memref<8192xf32, #tpu.memory_space<vmem>>, %arg6: memref<8192xf32, #tpu.memory_space<vmem>>, %arg7: memref<1024xf32, #tpu.memory_space<vmem>>) attributes {dimension_semantics = [#tpu.dimension_semantics<core_parallel>, #tpu.dimension_semantics<subcore_parallel>], iteration_bounds = array<i64: 2, 16>, scalar_prefetch = 0 : i64, scratch_operands = 3 : i64, tpu.core_type = #tpu.core_type<sc_vector_subcore>, window_params = [{transform_indices = #map}, {transform_indices = #map}, {transform_indices = #map}]} {
    %mul3A = arith.constant 2 : i32
    %mul3A_0 = arith.muli %arg1, %mul3A : i32
    %add3A = arith.addi %mul3A_0, %arg0 : i32
    %mul3A_1 = arith.constant 1024 : i32
    %mul3A_2 = arith.muli %add3A, %mul3A_1 : i32
    %add3A_3 = arith.constant 0 : i32
    %add3A_4 = arith.addi %add3A_3, %mul3A_2 : i32
    "tpu.region"() ({
      %run_scoped3A = tpu.sem_alloc : memref<!tpu.dma_semaphore, #tpu.memory_space<semaphore_mem>>
      %dma_start3A = arith.constant 0 : i32
      %dma_start3A_40 = tpu.memref_slice %arg5[%dma_start3A] : memref<8192xf32, #tpu.memory_space<vmem>> -> memref<1024xf32, #tpu.memory_space<vmem>>
      %dma_start3A_41 = tpu.memref_slice %arg2[%add3A_4] : memref<262144xf32, #tpu.memory_space<hbm>> -> memref<1024xf32, #tpu.memory_space<hbm>>
      %dma_start3A_42 = arith.constant 0 : i32
      %dma_start3A_43 = tpu.memref_slice %arg5[%dma_start3A_42] : memref<8192xf32, #tpu.memory_space<vmem>> -> memref<1024xf32, #tpu.memory_space<vmem>>
      %dma_start3A_44 = tpu.memref_slice %arg2[%add3A_4] : memref<262144xf32, #tpu.memory_space<hbm>> -> memref<1024xf32, #tpu.memory_space<hbm>>
      tpu.enqueue_dma source(%dma_start3A_44 : memref<1024xf32, #tpu.memory_space<hbm>>) target(%dma_start3A_43 : memref<1024xf32, #tpu.memory_space<vmem>>) target_semaphore(%run_scoped3A : memref<!tpu.dma_semaphore, #tpu.memory_space<semaphore_mem>>)
      %dma_wait3A = arith.constant 0 : i32
      %dma_wait3A_45 = tpu.memref_slice %arg5[%dma_wait3A] : memref<8192xf32, #tpu.memory_space<vmem>> -> memref<1024xf32, #tpu.memory_space<vmem>>
      %dma_wait3A_46 = tpu.memref_slice %arg2[%add3A_4] : memref<262144xf32, #tpu.memory_space<hbm>> -> memref<1024xf32, #tpu.memory_space<hbm>>
      %dma_wait3A_47 = arith.constant 0 : i32
      %dma_wait3A_48 = tpu.memref_slice %arg5[%dma_wait3A_47] : memref<8192xf32, #tpu.memory_space<vmem>> -> memref<1024xf32, #tpu.memory_space<vmem>>
      %dma_wait3A_49 = tpu.memref_slice %arg2[%add3A_4] : memref<262144xf32, #tpu.memory_space<hbm>> -> memref<1024xf32, #tpu.memory_space<hbm>>
      tpu.wait_dma2 semaphore(%run_scoped3A : memref<!tpu.dma_semaphore, #tpu.memory_space<semaphore_mem>>) src(%dma_wait3A_49 : memref<1024xf32, #tpu.memory_space<hbm>>) dst(%dma_wait3A_48 : memref<1024xf32, #tpu.memory_space<vmem>>)
      tpu.yield
    }) : () -> ()
    %add3A_5 = arith.constant 0 : i32
    %add3A_6 = arith.addi %add3A_5, %mul3A_2 : i32
    "tpu.region"() ({
      %run_scoped3A = tpu.sem_alloc : memref<!tpu.dma_semaphore, #tpu.memory_space<semaphore_mem>>
      %dma_start3A = arith.constant 0 : i32
      %dma_start3A_40 = tpu.memref_slice %arg6[%dma_start3A] : memref<8192xf32, #tpu.memory_space<vmem>> -> memref<1024xf32, #tpu.memory_space<vmem>>
      %dma_start3A_41 = tpu.memref_slice %arg3[%add3A_6] : memref<262144xf32, #tpu.memory_space<hbm>> -> memref<1024xf32, #tpu.memory_space<hbm>>
      %dma_start3A_42 = arith.constant 0 : i32
      %dma_start3A_43 = tpu.memref_slice %arg6[%dma_start3A_42] : memref<8192xf32, #tpu.memory_space<vmem>> -> memref<1024xf32, #tpu.memory_space<vmem>>
      %dma_start3A_44 = tpu.memref_slice %arg3[%add3A_6] : memref<262144xf32, #tpu.memory_space<hbm>> -> memref<1024xf32, #tpu.memory_space<hbm>>
      tpu.enqueue_dma source(%dma_start3A_44 : memref<1024xf32, #tpu.memory_space<hbm>>) target(%dma_start3A_43 : memref<1024xf32, #tpu.memory_space<vmem>>) target_semaphore(%run_scoped3A : memref<!tpu.dma_semaphore, #tpu.memory_space<semaphore_mem>>)
      %dma_wait3A = arith.constant 0 : i32
      %dma_wait3A_45 = tpu.memref_slice %arg6[%dma_wait3A] : memref<8192xf32, #tpu.memory_space<vmem>> -> memref<1024xf32, #tpu.memory_space<vmem>>
      %dma_wait3A_46 = tpu.memref_slice %arg3[%add3A_6] : memref<262144xf32, #tpu.memory_space<hbm>> -> memref<1024xf32, #tpu.memory_space<hbm>>
      %dma_wait3A_47 = arith.constant 0 : i32
      %dma_wait3A_48 = tpu.memref_slice %arg6[%dma_wait3A_47] : memref<8192xf32, #tpu.memory_space<vmem>> -> memref<1024xf32, #tpu.memory_space<vmem>>
      %dma_wait3A_49 = tpu.memref_slice %arg3[%add3A_6] : memref<262144xf32, #tpu.memory_space<hbm>> -> memref<1024xf32, #tpu.memory_space<hbm>>
      tpu.wait_dma2 semaphore(%run_scoped3A : memref<!tpu.dma_semaphore, #tpu.memory_space<semaphore_mem>>) src(%dma_wait3A_49 : memref<1024xf32, #tpu.memory_space<hbm>>) dst(%dma_wait3A_48 : memref<1024xf32, #tpu.memory_space<vmem>>)
      tpu.yield
    }) : () -> ()
    %add3A_7 = arith.constant 32768 : i32
    %add3A_8 = arith.addi %add3A_7, %mul3A_2 : i32
    "tpu.region"() ({
      %run_scoped3A = tpu.sem_alloc : memref<!tpu.dma_semaphore, #tpu.memory_space<semaphore_mem>>
      %dma_start3A = arith.constant 1024 : i32
      %dma_start3A_40 = tpu.memref_slice %arg5[%dma_start3A] : memref<8192xf32, #tpu.memory_space<vmem>> -> memref<1024xf32, #tpu.memory_space<vmem>>
      %dma_start3A_41 = tpu.memref_slice %arg2[%add3A_8] : memref<262144xf32, #tpu.memory_space<hbm>> -> memref<1024xf32, #tpu.memory_space<hbm>>
      %dma_start3A_42 = arith.constant 1024 : i32
      %dma_start3A_43 = tpu.memref_slice %arg5[%dma_start3A_42] : memref<8192xf32, #tpu.memory_space<vmem>> -> memref<1024xf32, #tpu.memory_space<vmem>>
      %dma_start3A_44 = tpu.memref_slice %arg2[%add3A_8] : memref<262144xf32, #tpu.memory_space<hbm>> -> memref<1024xf32, #tpu.memory_space<hbm>>
      tpu.enqueue_dma source(%dma_start3A_44 : memref<1024xf32, #tpu.memory_space<hbm>>) target(%dma_start3A_43 : memref<1024xf32, #tpu.memory_space<vmem>>) target_semaphore(%run_scoped3A : memref<!tpu.dma_semaphore, #tpu.memory_space<semaphore_mem>>)
      %dma_wait3A = arith.constant 1024 : i32
      %dma_wait3A_45 = tpu.memref_slice %arg5[%dma_wait3A] : memref<8192xf32, #tpu.memory_space<vmem>> -> memref<1024xf32, #tpu.memory_space<vmem>>
      %dma_wait3A_46 = tpu.memref_slice %arg2[%add3A_8] : memref<262144xf32, #tpu.memory_space<hbm>> -> memref<1024xf32, #tpu.memory_space<hbm>>
      %dma_wait3A_47 = arith.constant 1024 : i32
      %dma_wait3A_48 = tpu.memref_slice %arg5[%dma_wait3A_47] : memref<8192xf32, #tpu.memory_space<vmem>> -> memref<1024xf32, #tpu.memory_space<vmem>>
      %dma_wait3A_49 = tpu.memref_slice %arg2[%add3A_8] : memref<262144xf32, #tpu.memory_space<hbm>> -> memref<1024xf32, #tpu.memory_space<hbm>>
      tpu.wait_dma2 semaphore(%run_scoped3A : memref<!tpu.dma_semaphore, #tpu.memory_space<semaphore_mem>>) src(%dma_wait3A_49 : memref<1024xf32, #tpu.memory_space<hbm>>) dst(%dma_wait3A_48 : memref<1024xf32, #tpu.memory_space<vmem>>)
      tpu.yield
    }) : () -> ()
    %add3A_9 = arith.constant 32768 : i32
    %add3A_10 = arith.addi %add3A_9, %mul3A_2 : i32
    "tpu.region"() ({
      %run_scoped3A = tpu.sem_alloc : memref<!tpu.dma_semaphore, #tpu.memory_space<semaphore_mem>>
      %dma_start3A = arith.constant 1024 : i32
      %dma_start3A_40 = tpu.memref_slice %arg6[%dma_start3A] : memref<8192xf32, #tpu.memory_space<vmem>> -> memref<1024xf32, #tpu.memory_space<vmem>>
      %dma_start3A_41 = tpu.memref_slice %arg3[%add3A_10] : memref<262144xf32, #tpu.memory_space<hbm>> -> memref<1024xf32, #tpu.memory_space<hbm>>
      %dma_start3A_42 = arith.constant 1024 : i32
      %dma_start3A_43 = tpu.memref_slice %arg6[%dma_start3A_42] : memref<8192xf32, #tpu.memory_space<vmem>> -> memref<1024xf32, #tpu.memory_space<vmem>>
      %dma_start3A_44 = tpu.memref_slice %arg3[%add3A_10] : memref<262144xf32, #tpu.memory_space<hbm>> -> memref<1024xf32, #tpu.memory_space<hbm>>
      tpu.enqueue_dma source(%dma_start3A_44 : memref<1024xf32, #tpu.memory_space<hbm>>) target(%dma_start3A_43 : memref<1024xf32, #tpu.memory_space<vmem>>) target_semaphore(%run_scoped3A : memref<!tpu.dma_semaphore, #tpu.memory_space<semaphore_mem>>)
      %dma_wait3A = arith.constant 1024 : i32
      %dma_wait3A_45 = tpu.memref_slice %arg6[%dma_wait3A] : memref<8192xf32, #tpu.memory_space<vmem>> -> memref<1024xf32, #tpu.memory_space<vmem>>
      %dma_wait3A_46 = tpu.memref_slice %arg3[%add3A_10] : memref<262144xf32, #tpu.memory_space<hbm>> -> memref<1024xf32, #tpu.memory_space<hbm>>
      %dma_wait3A_47 = arith.constant 1024 : i32
      %dma_wait3A_48 = tpu.memref_slice %arg6[%dma_wait3A_47] : memref<8192xf32, #tpu.memory_space<vmem>> -> memref<1024xf32, #tpu.memory_space<vmem>>
      %dma_wait3A_49 = tpu.memref_slice %arg3[%add3A_10] : memref<262144xf32, #tpu.memory_space<hbm>> -> memref<1024xf32, #tpu.memory_space<hbm>>
      tpu.wait_dma2 semaphore(%run_scoped3A : memref<!tpu.dma_semaphore, #tpu.memory_space<semaphore_mem>>) src(%dma_wait3A_49 : memref<1024xf32, #tpu.memory_space<hbm>>) dst(%dma_wait3A_48 : memref<1024xf32, #tpu.memory_space<vmem>>)
      tpu.yield
    }) : () -> ()
    %add3A_11 = arith.constant 65536 : i32
    %add3A_12 = arith.addi %add3A_11, %mul3A_2 : i32
    "tpu.region"() ({
      %run_scoped3A = tpu.sem_alloc : memref<!tpu.dma_semaphore, #tpu.memory_space<semaphore_mem>>
      %dma_start3A = arith.constant 2048 : i32
      %dma_start3A_40 = tpu.memref_slice %arg5[%dma_start3A] : memref<8192xf32, #tpu.memory_space<vmem>> -> memref<1024xf32, #tpu.memory_space<vmem>>
      %dma_start3A_41 = tpu.memref_slice %arg2[%add3A_12] : memref<262144xf32, #tpu.memory_space<hbm>> -> memref<1024xf32, #tpu.memory_space<hbm>>
      %dma_start3A_42 = arith.constant 2048 : i32
      %dma_start3A_43 = tpu.memref_slice %arg5[%dma_start3A_42] : memref<8192xf32, #tpu.memory_space<vmem>> -> memref<1024xf32, #tpu.memory_space<vmem>>
      %dma_start3A_44 = tpu.memref_slice %arg2[%add3A_12] : memref<262144xf32, #tpu.memory_space<hbm>> -> memref<1024xf32, #tpu.memory_space<hbm>>
      tpu.enqueue_dma source(%dma_start3A_44 : memref<1024xf32, #tpu.memory_space<hbm>>) target(%dma_start3A_43 : memref<1024xf32, #tpu.memory_space<vmem>>) target_semaphore(%run_scoped3A : memref<!tpu.dma_semaphore, #tpu.memory_space<semaphore_mem>>)
      %dma_wait3A = arith.constant 2048 : i32
      %dma_wait3A_45 = tpu.memref_slice %arg5[%dma_wait3A] : memref<8192xf32, #tpu.memory_space<vmem>> -> memref<1024xf32, #tpu.memory_space<vmem>>
      %dma_wait3A_46 = tpu.memref_slice %arg2[%add3A_12] : memref<262144xf32, #tpu.memory_space<hbm>> -> memref<1024xf32, #tpu.memory_space<hbm>>
      %dma_wait3A_47 = arith.constant 2048 : i32
      %dma_wait3A_48 = tpu.memref_slice %arg5[%dma_wait3A_47] : memref<8192xf32, #tpu.memory_space<vmem>> -> memref<1024xf32, #tpu.memory_space<vmem>>
      %dma_wait3A_49 = tpu.memref_slice %arg2[%add3A_12] : memref<262144xf32, #tpu.memory_space<hbm>> -> memref<1024xf32, #tpu.memory_space<hbm>>
      tpu.wait_dma2 semaphore(%run_scoped3A : memref<!tpu.dma_semaphore, #tpu.memory_space<semaphore_mem>>) src(%dma_wait3A_49 : memref<1024xf32, #tpu.memory_space<hbm>>) dst(%dma_wait3A_48 : memref<1024xf32, #tpu.memory_space<vmem>>)
      tpu.yield
    }) : () -> ()
    %add3A_13 = arith.constant 65536 : i32
    %add3A_14 = arith.addi %add3A_13, %mul3A_2 : i32
    "tpu.region"() ({
      %run_scoped3A = tpu.sem_alloc : memref<!tpu.dma_semaphore, #tpu.memory_space<semaphore_mem>>
      %dma_start3A = arith.constant 2048 : i32
      %dma_start3A_40 = tpu.memref_slice %arg6[%dma_start3A] : memref<8192xf32, #tpu.memory_space<vmem>> -> memref<1024xf32, #tpu.memory_space<vmem>>
      %dma_start3A_41 = tpu.memref_slice %arg3[%add3A_14] : memref<262144xf32, #tpu.memory_space<hbm>> -> memref<1024xf32, #tpu.memory_space<hbm>>
      %dma_start3A_42 = arith.constant 2048 : i32
      %dma_start3A_43 = tpu.memref_slice %arg6[%dma_start3A_42] : memref<8192xf32, #tpu.memory_space<vmem>> -> memref<1024xf32, #tpu.memory_space<vmem>>
      %dma_start3A_44 = tpu.memref_slice %arg3[%add3A_14] : memref<262144xf32, #tpu.memory_space<hbm>> -> memref<1024xf32, #tpu.memory_space<hbm>>
      tpu.enqueue_dma source(%dma_start3A_44 : memref<1024xf32, #tpu.memory_space<hbm>>) target(%dma_start3A_43 : memref<1024xf32, #tpu.memory_space<vmem>>) target_semaphore(%run_scoped3A : memref<!tpu.dma_semaphore, #tpu.memory_space<semaphore_mem>>)
      %dma_wait3A = arith.constant 2048 : i32
      %dma_wait3A_45 = tpu.memref_slice %arg6[%dma_wait3A] : memref<8192xf32, #tpu.memory_space<vmem>> -> memref<1024xf32, #tpu.memory_space<vmem>>
      %dma_wait3A_46 = tpu.memref_slice %arg3[%add3A_14] : memref<262144xf32, #tpu.memory_space<hbm>> -> memref<1024xf32, #tpu.memory_space<hbm>>
      %dma_wait3A_47 = arith.constant 2048 : i32
      %dma_wait3A_48 = tpu.memref_slice %arg6[%dma_wait3A_47] : memref<8192xf32, #tpu.memory_space<vmem>> -> memref<1024xf32, #tpu.memory_space<vmem>>
      %dma_wait3A_49 = tpu.memref_slice %arg3[%add3A_14] : memref<262144xf32, #tpu.memory_space<hbm>> -> memref<1024xf32, #tpu.memory_space<hbm>>
      tpu.wait_dma2 semaphore(%run_scoped3A : memref<!tpu.dma_semaphore, #tpu.memory_space<semaphore_mem>>) src(%dma_wait3A_49 : memref<1024xf32, #tpu.memory_space<hbm>>) dst(%dma_wait3A_48 : memref<1024xf32, #tpu.memory_space<vmem>>)
      tpu.yield
    }) : () -> ()
    %add3A_15 = arith.constant 98304 : i32
    %add3A_16 = arith.addi %add3A_15, %mul3A_2 : i32
    "tpu.region"() ({
      %run_scoped3A = tpu.sem_alloc : memref<!tpu.dma_semaphore, #tpu.memory_space<semaphore_mem>>
      %dma_start3A = arith.constant 3072 : i32
      %dma_start3A_40 = tpu.memref_slice %arg5[%dma_start3A] : memref<8192xf32, #tpu.memory_space<vmem>> -> memref<1024xf32, #tpu.memory_space<vmem>>
      %dma_start3A_41 = tpu.memref_slice %arg2[%add3A_16] : memref<262144xf32, #tpu.memory_space<hbm>> -> memref<1024xf32, #tpu.memory_space<hbm>>
      %dma_start3A_42 = arith.constant 3072 : i32
      %dma_start3A_43 = tpu.memref_slice %arg5[%dma_start3A_42] : memref<8192xf32, #tpu.memory_space<vmem>> -> memref<1024xf32, #tpu.memory_space<vmem>>
      %dma_start3A_44 = tpu.memref_slice %arg2[%add3A_16] : memref<262144xf32, #tpu.memory_space<hbm>> -> memref<1024xf32, #tpu.memory_space<hbm>>
      tpu.enqueue_dma source(%dma_start3A_44 : memref<1024xf32, #tpu.memory_space<hbm>>) target(%dma_start3A_43 : memref<1024xf32, #tpu.memory_space<vmem>>) target_semaphore(%run_scoped3A : memref<!tpu.dma_semaphore, #tpu.memory_space<semaphore_mem>>)
      %dma_wait3A = arith.constant 3072 : i32
      %dma_wait3A_45 = tpu.memref_slice %arg5[%dma_wait3A] : memref<8192xf32, #tpu.memory_space<vmem>> -> memref<1024xf32, #tpu.memory_space<vmem>>
      %dma_wait3A_46 = tpu.memref_slice %arg2[%add3A_16] : memref<262144xf32, #tpu.memory_space<hbm>> -> memref<1024xf32, #tpu.memory_space<hbm>>
      %dma_wait3A_47 = arith.constant 3072 : i32
      %dma_wait3A_48 = tpu.memref_slice %arg5[%dma_wait3A_47] : memref<8192xf32, #tpu.memory_space<vmem>> -> memref<1024xf32, #tpu.memory_space<vmem>>
      %dma_wait3A_49 = tpu.memref_slice %arg2[%add3A_16] : memref<262144xf32, #tpu.memory_space<hbm>> -> memref<1024xf32, #tpu.memory_space<hbm>>
      tpu.wait_dma2 semaphore(%run_scoped3A : memref<!tpu.dma_semaphore, #tpu.memory_space<semaphore_mem>>) src(%dma_wait3A_49 : memref<1024xf32, #tpu.memory_space<hbm>>) dst(%dma_wait3A_48 : memref<1024xf32, #tpu.memory_space<vmem>>)
      tpu.yield
    }) : () -> ()
    %add3A_17 = arith.constant 98304 : i32
    %add3A_18 = arith.addi %add3A_17, %mul3A_2 : i32
    "tpu.region"() ({
      %run_scoped3A = tpu.sem_alloc : memref<!tpu.dma_semaphore, #tpu.memory_space<semaphore_mem>>
      %dma_start3A = arith.constant 3072 : i32
      %dma_start3A_40 = tpu.memref_slice %arg6[%dma_start3A] : memref<8192xf32, #tpu.memory_space<vmem>> -> memref<1024xf32, #tpu.memory_space<vmem>>
      %dma_start3A_41 = tpu.memref_slice %arg3[%add3A_18] : memref<262144xf32, #tpu.memory_space<hbm>> -> memref<1024xf32, #tpu.memory_space<hbm>>
      %dma_start3A_42 = arith.constant 3072 : i32
      %dma_start3A_43 = tpu.memref_slice %arg6[%dma_start3A_42] : memref<8192xf32, #tpu.memory_space<vmem>> -> memref<1024xf32, #tpu.memory_space<vmem>>
      %dma_start3A_44 = tpu.memref_slice %arg3[%add3A_18] : memref<262144xf32, #tpu.memory_space<hbm>> -> memref<1024xf32, #tpu.memory_space<hbm>>
      tpu.enqueue_dma source(%dma_start3A_44 : memref<1024xf32, #tpu.memory_space<hbm>>) target(%dma_start3A_43 : memref<1024xf32, #tpu.memory_space<vmem>>) target_semaphore(%run_scoped3A : memref<!tpu.dma_semaphore, #tpu.memory_space<semaphore_mem>>)
      %dma_wait3A = arith.constant 3072 : i32
      %dma_wait3A_45 = tpu.memref_slice %arg6[%dma_wait3A] : memref<8192xf32, #tpu.memory_space<vmem>> -> memref<1024xf32, #tpu.memory_space<vmem>>
      %dma_wait3A_46 = tpu.memref_slice %arg3[%add3A_18] : memref<262144xf32, #tpu.memory_space<hbm>> -> memref<1024xf32, #tpu.memory_space<hbm>>
      %dma_wait3A_47 = arith.constant 3072 : i32
      %dma_wait3A_48 = tpu.memref_slice %arg6[%dma_wait3A_47] : memref<8192xf32, #tpu.memory_space<vmem>> -> memref<1024xf32, #tpu.memory_space<vmem>>
      %dma_wait3A_49 = tpu.memref_slice %arg3[%add3A_18] : memref<262144xf32, #tpu.memory_space<hbm>> -> memref<1024xf32, #tpu.memory_space<hbm>>
      tpu.wait_dma2 semaphore(%run_scoped3A : memref<!tpu.dma_semaphore, #tpu.memory_space<semaphore_mem>>) src(%dma_wait3A_49 : memref<1024xf32, #tpu.memory_space<hbm>>) dst(%dma_wait3A_48 : memref<1024xf32, #tpu.memory_space<vmem>>)
      tpu.yield
    }) : () -> ()
    %add3A_19 = arith.constant 131072 : i32
    %add3A_20 = arith.addi %add3A_19, %mul3A_2 : i32
    "tpu.region"() ({
      %run_scoped3A = tpu.sem_alloc : memref<!tpu.dma_semaphore, #tpu.memory_space<semaphore_mem>>
      %dma_start3A = arith.constant 4096 : i32
      %dma_start3A_40 = tpu.memref_slice %arg5[%dma_start3A] : memref<8192xf32, #tpu.memory_space<vmem>> -> memref<1024xf32, #tpu.memory_space<vmem>>
      %dma_start3A_41 = tpu.memref_slice %arg2[%add3A_20] : memref<262144xf32, #tpu.memory_space<hbm>> -> memref<1024xf32, #tpu.memory_space<hbm>>
      %dma_start3A_42 = arith.constant 4096 : i32
      %dma_start3A_43 = tpu.memref_slice %arg5[%dma_start3A_42] : memref<8192xf32, #tpu.memory_space<vmem>> -> memref<1024xf32, #tpu.memory_space<vmem>>
      %dma_start3A_44 = tpu.memref_slice %arg2[%add3A_20] : memref<262144xf32, #tpu.memory_space<hbm>> -> memref<1024xf32, #tpu.memory_space<hbm>>
      tpu.enqueue_dma source(%dma_start3A_44 : memref<1024xf32, #tpu.memory_space<hbm>>) target(%dma_start3A_43 : memref<1024xf32, #tpu.memory_space<vmem>>) target_semaphore(%run_scoped3A : memref<!tpu.dma_semaphore, #tpu.memory_space<semaphore_mem>>)
      %dma_wait3A = arith.constant 4096 : i32
      %dma_wait3A_45 = tpu.memref_slice %arg5[%dma_wait3A] : memref<8192xf32, #tpu.memory_space<vmem>> -> memref<1024xf32, #tpu.memory_space<vmem>>
      %dma_wait3A_46 = tpu.memref_slice %arg2[%add3A_20] : memref<262144xf32, #tpu.memory_space<hbm>> -> memref<1024xf32, #tpu.memory_space<hbm>>
      %dma_wait3A_47 = arith.constant 4096 : i32
      %dma_wait3A_48 = tpu.memref_slice %arg5[%dma_wait3A_47] : memref<8192xf32, #tpu.memory_space<vmem>> -> memref<1024xf32, #tpu.memory_space<vmem>>
      %dma_wait3A_49 = tpu.memref_slice %arg2[%add3A_20] : memref<262144xf32, #tpu.memory_space<hbm>> -> memref<1024xf32, #tpu.memory_space<hbm>>
      tpu.wait_dma2 semaphore(%run_scoped3A : memref<!tpu.dma_semaphore, #tpu.memory_space<semaphore_mem>>) src(%dma_wait3A_49 : memref<1024xf32, #tpu.memory_space<hbm>>) dst(%dma_wait3A_48 : memref<1024xf32, #tpu.memory_space<vmem>>)
      tpu.yield
    }) : () -> ()
    %add3A_21 = arith.constant 131072 : i32
    %add3A_22 = arith.addi %add3A_21, %mul3A_2 : i32
    "tpu.region"() ({
      %run_scoped3A = tpu.sem_alloc : memref<!tpu.dma_semaphore, #tpu.memory_space<semaphore_mem>>
      %dma_start3A = arith.constant 4096 : i32
      %dma_start3A_40 = tpu.memref_slice %arg6[%dma_start3A] : memref<8192xf32, #tpu.memory_space<vmem>> -> memref<1024xf32, #tpu.memory_space<vmem>>
      %dma_start3A_41 = tpu.memref_slice %arg3[%add3A_22] : memref<262144xf32, #tpu.memory_space<hbm>> -> memref<1024xf32, #tpu.memory_space<hbm>>
      %dma_start3A_42 = arith.constant 4096 : i32
      %dma_start3A_43 = tpu.memref_slice %arg6[%dma_start3A_42] : memref<8192xf32, #tpu.memory_space<vmem>> -> memref<1024xf32, #tpu.memory_space<vmem>>
      %dma_start3A_44 = tpu.memref_slice %arg3[%add3A_22] : memref<262144xf32, #tpu.memory_space<hbm>> -> memref<1024xf32, #tpu.memory_space<hbm>>
      tpu.enqueue_dma source(%dma_start3A_44 : memref<1024xf32, #tpu.memory_space<hbm>>) target(%dma_start3A_43 : memref<1024xf32, #tpu.memory_space<vmem>>) target_semaphore(%run_scoped3A : memref<!tpu.dma_semaphore, #tpu.memory_space<semaphore_mem>>)
      %dma_wait3A = arith.constant 4096 : i32
      %dma_wait3A_45 = tpu.memref_slice %arg6[%dma_wait3A] : memref<8192xf32, #tpu.memory_space<vmem>> -> memref<1024xf32, #tpu.memory_space<vmem>>
      %dma_wait3A_46 = tpu.memref_slice %arg3[%add3A_22] : memref<262144xf32, #tpu.memory_space<hbm>> -> memref<1024xf32, #tpu.memory_space<hbm>>
      %dma_wait3A_47 = arith.constant 4096 : i32
      %dma_wait3A_48 = tpu.memref_slice %arg6[%dma_wait3A_47] : memref<8192xf32, #tpu.memory_space<vmem>> -> memref<1024xf32, #tpu.memory_space<vmem>>
      %dma_wait3A_49 = tpu.memref_slice %arg3[%add3A_22] : memref<262144xf32, #tpu.memory_space<hbm>> -> memref<1024xf32, #tpu.memory_space<hbm>>
      tpu.wait_dma2 semaphore(%run_scoped3A : memref<!tpu.dma_semaphore, #tpu.memory_space<semaphore_mem>>) src(%dma_wait3A_49 : memref<1024xf32, #tpu.memory_space<hbm>>) dst(%dma_wait3A_48 : memref<1024xf32, #tpu.memory_space<vmem>>)
      tpu.yield
    }) : () -> ()
    %add3A_23 = arith.constant 163840 : i32
    %add3A_24 = arith.addi %add3A_23, %mul3A_2 : i32
    "tpu.region"() ({
      %run_scoped3A = tpu.sem_alloc : memref<!tpu.dma_semaphore, #tpu.memory_space<semaphore_mem>>
      %dma_start3A = arith.constant 5120 : i32
      %dma_start3A_40 = tpu.memref_slice %arg5[%dma_start3A] : memref<8192xf32, #tpu.memory_space<vmem>> -> memref<1024xf32, #tpu.memory_space<vmem>>
      %dma_start3A_41 = tpu.memref_slice %arg2[%add3A_24] : memref<262144xf32, #tpu.memory_space<hbm>> -> memref<1024xf32, #tpu.memory_space<hbm>>
      %dma_start3A_42 = arith.constant 5120 : i32
      %dma_start3A_43 = tpu.memref_slice %arg5[%dma_start3A_42] : memref<8192xf32, #tpu.memory_space<vmem>> -> memref<1024xf32, #tpu.memory_space<vmem>>
      %dma_start3A_44 = tpu.memref_slice %arg2[%add3A_24] : memref<262144xf32, #tpu.memory_space<hbm>> -> memref<1024xf32, #tpu.memory_space<hbm>>
      tpu.enqueue_dma source(%dma_start3A_44 : memref<1024xf32, #tpu.memory_space<hbm>>) target(%dma_start3A_43 : memref<1024xf32, #tpu.memory_space<vmem>>) target_semaphore(%run_scoped3A : memref<!tpu.dma_semaphore, #tpu.memory_space<semaphore_mem>>)
      %dma_wait3A = arith.constant 5120 : i32
      %dma_wait3A_45 = tpu.memref_slice %arg5[%dma_wait3A] : memref<8192xf32, #tpu.memory_space<vmem>> -> memref<1024xf32, #tpu.memory_space<vmem>>
      %dma_wait3A_46 = tpu.memref_slice %arg2[%add3A_24] : memref<262144xf32, #tpu.memory_space<hbm>> -> memref<1024xf32, #tpu.memory_space<hbm>>
      %dma_wait3A_47 = arith.constant 5120 : i32
      %dma_wait3A_48 = tpu.memref_slice %arg5[%dma_wait3A_47] : memref<8192xf32, #tpu.memory_space<vmem>> -> memref<1024xf32, #tpu.memory_space<vmem>>
      %dma_wait3A_49 = tpu.memref_slice %arg2[%add3A_24] : memref<262144xf32, #tpu.memory_space<hbm>> -> memref<1024xf32, #tpu.memory_space<hbm>>
      tpu.wait_dma2 semaphore(%run_scoped3A : memref<!tpu.dma_semaphore, #tpu.memory_space<semaphore_mem>>) src(%dma_wait3A_49 : memref<1024xf32, #tpu.memory_space<hbm>>) dst(%dma_wait3A_48 : memref<1024xf32, #tpu.memory_space<vmem>>)
      tpu.yield
    }) : () -> ()
    %add3A_25 = arith.constant 163840 : i32
    %add3A_26 = arith.addi %add3A_25, %mul3A_2 : i32
    "tpu.region"() ({
      %run_scoped3A = tpu.sem_alloc : memref<!tpu.dma_semaphore, #tpu.memory_space<semaphore_mem>>
      %dma_start3A = arith.constant 5120 : i32
      %dma_start3A_40 = tpu.memref_slice %arg6[%dma_start3A] : memref<8192xf32, #tpu.memory_space<vmem>> -> memref<1024xf32, #tpu.memory_space<vmem>>
      %dma_start3A_41 = tpu.memref_slice %arg3[%add3A_26] : memref<262144xf32, #tpu.memory_space<hbm>> -> memref<1024xf32, #tpu.memory_space<hbm>>
      %dma_start3A_42 = arith.constant 5120 : i32
      %dma_start3A_43 = tpu.memref_slice %arg6[%dma_start3A_42] : memref<8192xf32, #tpu.memory_space<vmem>> -> memref<1024xf32, #tpu.memory_space<vmem>>
      %dma_start3A_44 = tpu.memref_slice %arg3[%add3A_26] : memref<262144xf32, #tpu.memory_space<hbm>> -> memref<1024xf32, #tpu.memory_space<hbm>>
      tpu.enqueue_dma source(%dma_start3A_44 : memref<1024xf32, #tpu.memory_space<hbm>>) target(%dma_start3A_43 : memref<1024xf32, #tpu.memory_space<vmem>>) target_semaphore(%run_scoped3A : memref<!tpu.dma_semaphore, #tpu.memory_space<semaphore_mem>>)
      %dma_wait3A = arith.constant 5120 : i32
      %dma_wait3A_45 = tpu.memref_slice %arg6[%dma_wait3A] : memref<8192xf32, #tpu.memory_space<vmem>> -> memref<1024xf32, #tpu.memory_space<vmem>>
      %dma_wait3A_46 = tpu.memref_slice %arg3[%add3A_26] : memref<262144xf32, #tpu.memory_space<hbm>> -> memref<1024xf32, #tpu.memory_space<hbm>>
      %dma_wait3A_47 = arith.constant 5120 : i32
      %dma_wait3A_48 = tpu.memref_slice %arg6[%dma_wait3A_47] : memref<8192xf32, #tpu.memory_space<vmem>> -> memref<1024xf32, #tpu.memory_space<vmem>>
      %dma_wait3A_49 = tpu.memref_slice %arg3[%add3A_26] : memref<262144xf32, #tpu.memory_space<hbm>> -> memref<1024xf32, #tpu.memory_space<hbm>>
      tpu.wait_dma2 semaphore(%run_scoped3A : memref<!tpu.dma_semaphore, #tpu.memory_space<semaphore_mem>>) src(%dma_wait3A_49 : memref<1024xf32, #tpu.memory_space<hbm>>) dst(%dma_wait3A_48 : memref<1024xf32, #tpu.memory_space<vmem>>)
      tpu.yield
    }) : () -> ()
    %add3A_27 = arith.constant 196608 : i32
    %add3A_28 = arith.addi %add3A_27, %mul3A_2 : i32
    "tpu.region"() ({
      %run_scoped3A = tpu.sem_alloc : memref<!tpu.dma_semaphore, #tpu.memory_space<semaphore_mem>>
      %dma_start3A = arith.constant 6144 : i32
      %dma_start3A_40 = tpu.memref_slice %arg5[%dma_start3A] : memref<8192xf32, #tpu.memory_space<vmem>> -> memref<1024xf32, #tpu.memory_space<vmem>>
      %dma_start3A_41 = tpu.memref_slice %arg2[%add3A_28] : memref<262144xf32, #tpu.memory_space<hbm>> -> memref<1024xf32, #tpu.memory_space<hbm>>
      %dma_start3A_42 = arith.constant 6144 : i32
      %dma_start3A_43 = tpu.memref_slice %arg5[%dma_start3A_42] : memref<8192xf32, #tpu.memory_space<vmem>> -> memref<1024xf32, #tpu.memory_space<vmem>>
      %dma_start3A_44 = tpu.memref_slice %arg2[%add3A_28] : memref<262144xf32, #tpu.memory_space<hbm>> -> memref<1024xf32, #tpu.memory_space<hbm>>
      tpu.enqueue_dma source(%dma_start3A_44 : memref<1024xf32, #tpu.memory_space<hbm>>) target(%dma_start3A_43 : memref<1024xf32, #tpu.memory_space<vmem>>) target_semaphore(%run_scoped3A : memref<!tpu.dma_semaphore, #tpu.memory_space<semaphore_mem>>)
      %dma_wait3A = arith.constant 6144 : i32
      %dma_wait3A_45 = tpu.memref_slice %arg5[%dma_wait3A] : memref<8192xf32, #tpu.memory_space<vmem>> -> memref<1024xf32, #tpu.memory_space<vmem>>
      %dma_wait3A_46 = tpu.memref_slice %arg2[%add3A_28] : memref<262144xf32, #tpu.memory_space<hbm>> -> memref<1024xf32, #tpu.memory_space<hbm>>
      %dma_wait3A_47 = arith.constant 6144 : i32
      %dma_wait3A_48 = tpu.memref_slice %arg5[%dma_wait3A_47] : memref<8192xf32, #tpu.memory_space<vmem>> -> memref<1024xf32, #tpu.memory_space<vmem>>
      %dma_wait3A_49 = tpu.memref_slice %arg2[%add3A_28] : memref<262144xf32, #tpu.memory_space<hbm>> -> memref<1024xf32, #tpu.memory_space<hbm>>
      tpu.wait_dma2 semaphore(%run_scoped3A : memref<!tpu.dma_semaphore, #tpu.memory_space<semaphore_mem>>) src(%dma_wait3A_49 : memref<1024xf32, #tpu.memory_space<hbm>>) dst(%dma_wait3A_48 : memref<1024xf32, #tpu.memory_space<vmem>>)
      tpu.yield
    }) : () -> ()
    %add3A_29 = arith.constant 196608 : i32
    %add3A_30 = arith.addi %add3A_29, %mul3A_2 : i32
    "tpu.region"() ({
      %run_scoped3A = tpu.sem_alloc : memref<!tpu.dma_semaphore, #tpu.memory_space<semaphore_mem>>
      %dma_start3A = arith.constant 6144 : i32
      %dma_start3A_40 = tpu.memref_slice %arg6[%dma_start3A] : memref<8192xf32, #tpu.memory_space<vmem>> -> memref<1024xf32, #tpu.memory_space<vmem>>
      %dma_start3A_41 = tpu.memref_slice %arg3[%add3A_30] : memref<262144xf32, #tpu.memory_space<hbm>> -> memref<1024xf32, #tpu.memory_space<hbm>>
      %dma_start3A_42 = arith.constant 6144 : i32
      %dma_start3A_43 = tpu.memref_slice %arg6[%dma_start3A_42] : memref<8192xf32, #tpu.memory_space<vmem>> -> memref<1024xf32, #tpu.memory_space<vmem>>
      %dma_start3A_44 = tpu.memref_slice %arg3[%add3A_30] : memref<262144xf32, #tpu.memory_space<hbm>> -> memref<1024xf32, #tpu.memory_space<hbm>>
      tpu.enqueue_dma source(%dma_start3A_44 : memref<1024xf32, #tpu.memory_space<hbm>>) target(%dma_start3A_43 : memref<1024xf32, #tpu.memory_space<vmem>>) target_semaphore(%run_scoped3A : memref<!tpu.dma_semaphore, #tpu.memory_space<semaphore_mem>>)
      %dma_wait3A = arith.constant 6144 : i32
      %dma_wait3A_45 = tpu.memref_slice %arg6[%dma_wait3A] : memref<8192xf32, #tpu.memory_space<vmem>> -> memref<1024xf32, #tpu.memory_space<vmem>>
      %dma_wait3A_46 = tpu.memref_slice %arg3[%add3A_30] : memref<262144xf32, #tpu.memory_space<hbm>> -> memref<1024xf32, #tpu.memory_space<hbm>>
      %dma_wait3A_47 = arith.constant 6144 : i32
      %dma_wait3A_48 = tpu.memref_slice %arg6[%dma_wait3A_47] : memref<8192xf32, #tpu.memory_space<vmem>> -> memref<1024xf32, #tpu.memory_space<vmem>>
      %dma_wait3A_49 = tpu.memref_slice %arg3[%add3A_30] : memref<262144xf32, #tpu.memory_space<hbm>> -> memref<1024xf32, #tpu.memory_space<hbm>>
      tpu.wait_dma2 semaphore(%run_scoped3A : memref<!tpu.dma_semaphore, #tpu.memory_space<semaphore_mem>>) src(%dma_wait3A_49 : memref<1024xf32, #tpu.memory_space<hbm>>) dst(%dma_wait3A_48 : memref<1024xf32, #tpu.memory_space<vmem>>)
      tpu.yield
    }) : () -> ()
    %add3A_31 = arith.constant 229376 : i32
    %add3A_32 = arith.addi %add3A_31, %mul3A_2 : i32
    "tpu.region"() ({
      %run_scoped3A = tpu.sem_alloc : memref<!tpu.dma_semaphore, #tpu.memory_space<semaphore_mem>>
      %dma_start3A = arith.constant 7168 : i32
      %dma_start3A_40 = tpu.memref_slice %arg5[%dma_start3A] : memref<8192xf32, #tpu.memory_space<vmem>> -> memref<1024xf32, #tpu.memory_space<vmem>>
      %dma_start3A_41 = tpu.memref_slice %arg2[%add3A_32] : memref<262144xf32, #tpu.memory_space<hbm>> -> memref<1024xf32, #tpu.memory_space<hbm>>
      %dma_start3A_42 = arith.constant 7168 : i32
      %dma_start3A_43 = tpu.memref_slice %arg5[%dma_start3A_42] : memref<8192xf32, #tpu.memory_space<vmem>> -> memref<1024xf32, #tpu.memory_space<vmem>>
      %dma_start3A_44 = tpu.memref_slice %arg2[%add3A_32] : memref<262144xf32, #tpu.memory_space<hbm>> -> memref<1024xf32, #tpu.memory_space<hbm>>
      tpu.enqueue_dma source(%dma_start3A_44 : memref<1024xf32, #tpu.memory_space<hbm>>) target(%dma_start3A_43 : memref<1024xf32, #tpu.memory_space<vmem>>) target_semaphore(%run_scoped3A : memref<!tpu.dma_semaphore, #tpu.memory_space<semaphore_mem>>)
      %dma_wait3A = arith.constant 7168 : i32
      %dma_wait3A_45 = tpu.memref_slice %arg5[%dma_wait3A] : memref<8192xf32, #tpu.memory_space<vmem>> -> memref<1024xf32, #tpu.memory_space<vmem>>
      %dma_wait3A_46 = tpu.memref_slice %arg2[%add3A_32] : memref<262144xf32, #tpu.memory_space<hbm>> -> memref<1024xf32, #tpu.memory_space<hbm>>
      %dma_wait3A_47 = arith.constant 7168 : i32
      %dma_wait3A_48 = tpu.memref_slice %arg5[%dma_wait3A_47] : memref<8192xf32, #tpu.memory_space<vmem>> -> memref<1024xf32, #tpu.memory_space<vmem>>
      %dma_wait3A_49 = tpu.memref_slice %arg2[%add3A_32] : memref<262144xf32, #tpu.memory_space<hbm>> -> memref<1024xf32, #tpu.memory_space<hbm>>
      tpu.wait_dma2 semaphore(%run_scoped3A : memref<!tpu.dma_semaphore, #tpu.memory_space<semaphore_mem>>) src(%dma_wait3A_49 : memref<1024xf32, #tpu.memory_space<hbm>>) dst(%dma_wait3A_48 : memref<1024xf32, #tpu.memory_space<vmem>>)
      tpu.yield
    }) : () -> ()
    %add3A_33 = arith.constant 229376 : i32
    %add3A_34 = arith.addi %add3A_33, %mul3A_2 : i32
    "tpu.region"() ({
      %run_scoped3A = tpu.sem_alloc : memref<!tpu.dma_semaphore, #tpu.memory_space<semaphore_mem>>
      %dma_start3A = arith.constant 7168 : i32
      %dma_start3A_40 = tpu.memref_slice %arg6[%dma_start3A] : memref<8192xf32, #tpu.memory_space<vmem>> -> memref<1024xf32, #tpu.memory_space<vmem>>
      %dma_start3A_41 = tpu.memref_slice %arg3[%add3A_34] : memref<262144xf32, #tpu.memory_space<hbm>> -> memref<1024xf32, #tpu.memory_space<hbm>>
      %dma_start3A_42 = arith.constant 7168 : i32
      %dma_start3A_43 = tpu.memref_slice %arg6[%dma_start3A_42] : memref<8192xf32, #tpu.memory_space<vmem>> -> memref<1024xf32, #tpu.memory_space<vmem>>
      %dma_start3A_44 = tpu.memref_slice %arg3[%add3A_34] : memref<262144xf32, #tpu.memory_space<hbm>> -> memref<1024xf32, #tpu.memory_space<hbm>>
      tpu.enqueue_dma source(%dma_start3A_44 : memref<1024xf32, #tpu.memory_space<hbm>>) target(%dma_start3A_43 : memref<1024xf32, #tpu.memory_space<vmem>>) target_semaphore(%run_scoped3A : memref<!tpu.dma_semaphore, #tpu.memory_space<semaphore_mem>>)
      %dma_wait3A = arith.constant 7168 : i32
      %dma_wait3A_45 = tpu.memref_slice %arg6[%dma_wait3A] : memref<8192xf32, #tpu.memory_space<vmem>> -> memref<1024xf32, #tpu.memory_space<vmem>>
      %dma_wait3A_46 = tpu.memref_slice %arg3[%add3A_34] : memref<262144xf32, #tpu.memory_space<hbm>> -> memref<1024xf32, #tpu.memory_space<hbm>>
      %dma_wait3A_47 = arith.constant 7168 : i32
      %dma_wait3A_48 = tpu.memref_slice %arg6[%dma_wait3A_47] : memref<8192xf32, #tpu.memory_space<vmem>> -> memref<1024xf32, #tpu.memory_space<vmem>>
      %dma_wait3A_49 = tpu.memref_slice %arg3[%add3A_34] : memref<262144xf32, #tpu.memory_space<hbm>> -> memref<1024xf32, #tpu.memory_space<hbm>>
      tpu.wait_dma2 semaphore(%run_scoped3A : memref<!tpu.dma_semaphore, #tpu.memory_space<semaphore_mem>>) src(%dma_wait3A_49 : memref<1024xf32, #tpu.memory_space<hbm>>) dst(%dma_wait3A_48 : memref<1024xf32, #tpu.memory_space<vmem>>)
      tpu.yield
    }) : () -> ()
    %scan3A = arith.constant 0 : i32
    %scan3A_35 = arith.constant 0 : i32
    %scan3A_36 = arith.constant 64 : i32
    %scan3A_37 = arith.addi %scan3A_35, %scan3A_36 : i32
    %scan3A_38 = arith.constant 1 : i32
    scf.for %scan3A_40 = %scan3A_35 to %scan3A_37 step %scan3A_38  : i32 {
      %mul3A_41 = arith.constant 16 : i32
      %mul3A_42 = arith.muli %scan3A_40, %mul3A_41 : i32
      %add3A_43 = arith.constant 0 : i32
      %add3A_44 = arith.addi %add3A_43, %mul3A_42 : i32
      %get3A = arith.index_cast %add3A_44 : i32 to index
      %get3A_45 = tpu.vector_load %arg5[%get3A] {strides = array<i32>} : memref<8192xf32, #tpu.memory_space<vmem>>, vector<16xf32>,
      %get3A_46 = vector.shape_cast %get3A_45 : vector<16xf32> to vector<16xf32>
      %add3A_47 = arith.constant 1024 : i32
      %add3A_48 = arith.addi %add3A_47, %mul3A_42 : i32
      %get3A_49 = arith.index_cast %add3A_48 : i32 to index
      %get3A_50 = tpu.vector_load %arg5[%get3A_49] {strides = array<i32>} : memref<8192xf32, #tpu.memory_space<vmem>>, vector<16xf32>,
      %get3A_51 = vector.shape_cast %get3A_50 : vector<16xf32> to vector<16xf32>
      %add3A_52 = arith.constant 2048 : i32
      %add3A_53 = arith.addi %add3A_52, %mul3A_42 : i32
      %get3A_54 = arith.index_cast %add3A_53 : i32 to index
      %get3A_55 = tpu.vector_load %arg5[%get3A_54] {strides = array<i32>} : memref<8192xf32, #tpu.memory_space<vmem>>, vector<16xf32>,
      %get3A_56 = vector.shape_cast %get3A_55 : vector<16xf32> to vector<16xf32>
      %add3A_57 = arith.constant 3072 : i32
      %add3A_58 = arith.addi %add3A_57, %mul3A_42 : i32
      %get3A_59 = arith.index_cast %add3A_58 : i32 to index
      %get3A_60 = tpu.vector_load %arg5[%get3A_59] {strides = array<i32>} : memref<8192xf32, #tpu.memory_space<vmem>>, vector<16xf32>,
      %get3A_61 = vector.shape_cast %get3A_60 : vector<16xf32> to vector<16xf32>
      %add3A_62 = arith.constant 4096 : i32
      %add3A_63 = arith.addi %add3A_62, %mul3A_42 : i32
      %get3A_64 = arith.index_cast %add3A_63 : i32 to index
      %get3A_65 = tpu.vector_load %arg5[%get3A_64] {strides = array<i32>} : memref<8192xf32, #tpu.memory_space<vmem>>, vector<16xf32>,
      %get3A_66 = vector.shape_cast %get3A_65 : vector<16xf32> to vector<16xf32>
      %add3A_67 = arith.constant 5120 : i32
      %add3A_68 = arith.addi %add3A_67, %mul3A_42 : i32
      %get3A_69 = arith.index_cast %add3A_68 : i32 to index
      %get3A_70 = tpu.vector_load %arg5[%get3A_69] {strides = array<i32>} : memref<8192xf32, #tpu.memory_space<vmem>>, vector<16xf32>,
      %get3A_71 = vector.shape_cast %get3A_70 : vector<16xf32> to vector<16xf32>
      %add3A_72 = arith.constant 6144 : i32
      %add3A_73 = arith.addi %add3A_72, %mul3A_42 : i32
      %get3A_74 = arith.index_cast %add3A_73 : i32 to index
      %get3A_75 = tpu.vector_load %arg5[%get3A_74] {strides = array<i32>} : memref<8192xf32, #tpu.memory_space<vmem>>, vector<16xf32>,
      %get3A_76 = vector.shape_cast %get3A_75 : vector<16xf32> to vector<16xf32>
      %add3A_77 = arith.constant 7168 : i32
      %add3A_78 = arith.addi %add3A_77, %mul3A_42 : i32
      %get3A_79 = arith.index_cast %add3A_78 : i32 to index
      %get3A_80 = tpu.vector_load %arg5[%get3A_79] {strides = array<i32>} : memref<8192xf32, #tpu.memory_space<vmem>>, vector<16xf32>,
      %get3A_81 = vector.shape_cast %get3A_80 : vector<16xf32> to vector<16xf32>
      %broadcast_in_dim3A = arith.constant 0.000000e+00 : f32
      %broadcast_in_dim3A_82 = vector.broadcast %broadcast_in_dim3A : f32 to vector<16xf32>
      %gt3A = arith.cmpf ogt, %get3A_51, %get3A_46 : vector<16xf32>
      %select_n3A = arith.select %gt3A, %get3A_51, %get3A_46 : vector<16xi1>, vector<16xf32>
      %jit3A = arith.constant 1.000000e+00 : f32
      %broadcast_in_dim3A_83 = vector.broadcast %jit3A : f32 to vector<16xf32>
      %select_n3A_84 = arith.select %gt3A, %broadcast_in_dim3A_83, %broadcast_in_dim3A_82 : vector<16xi1>, vector<16xf32>
      %gt3A_85 = arith.cmpf ogt, %get3A_56, %select_n3A : vector<16xf32>
      %select_n3A_86 = arith.select %gt3A_85, %get3A_56, %select_n3A : vector<16xi1>, vector<16xf32>
      %jit3A_87 = arith.constant 2.000000e+00 : f32
      %broadcast_in_dim3A_88 = vector.broadcast %jit3A_87 : f32 to vector<16xf32>
      %select_n3A_89 = arith.select %gt3A_85, %broadcast_in_dim3A_88, %select_n3A_84 : vector<16xi1>, vector<16xf32>
      %gt3A_90 = arith.cmpf ogt, %get3A_61, %select_n3A_86 : vector<16xf32>
      %select_n3A_91 = arith.select %gt3A_90, %get3A_61, %select_n3A_86 : vector<16xi1>, vector<16xf32>
      %jit3A_92 = arith.constant 3.000000e+00 : f32
      %broadcast_in_dim3A_93 = vector.broadcast %jit3A_92 : f32 to vector<16xf32>
      %select_n3A_94 = arith.select %gt3A_90, %broadcast_in_dim3A_93, %select_n3A_89 : vector<16xi1>, vector<16xf32>
      %gt3A_95 = arith.cmpf ogt, %get3A_66, %select_n3A_91 : vector<16xf32>
      %select_n3A_96 = arith.select %gt3A_95, %get3A_66, %select_n3A_91 : vector<16xi1>, vector<16xf32>
      %jit3A_97 = arith.constant 4.000000e+00 : f32
      %broadcast_in_dim3A_98 = vector.broadcast %jit3A_97 : f32 to vector<16xf32>
      %select_n3A_99 = arith.select %gt3A_95, %broadcast_in_dim3A_98, %select_n3A_94 : vector<16xi1>, vector<16xf32>
      %gt3A_100 = arith.cmpf ogt, %get3A_71, %select_n3A_96 : vector<16xf32>
      %select_n3A_101 = arith.select %gt3A_100, %get3A_71, %select_n3A_96 : vector<16xi1>, vector<16xf32>
      %jit3A_102 = arith.constant 5.000000e+00 : f32
      %broadcast_in_dim3A_103 = vector.broadcast %jit3A_102 : f32 to vector<16xf32>
      %select_n3A_104 = arith.select %gt3A_100, %broadcast_in_dim3A_103, %select_n3A_99 : vector<16xi1>, vector<16xf32>
      %gt3A_105 = arith.cmpf ogt, %get3A_76, %select_n3A_101 : vector<16xf32>
      %select_n3A_106 = arith.select %gt3A_105, %get3A_76, %select_n3A_101 : vector<16xi1>, vector<16xf32>
      %jit3A_107 = arith.constant 6.000000e+00 : f32
      %broadcast_in_dim3A_108 = vector.broadcast %jit3A_107 : f32 to vector<16xf32>
      %select_n3A_109 = arith.select %gt3A_105, %broadcast_in_dim3A_108, %select_n3A_104 : vector<16xi1>, vector<16xf32>
      %gt3A_110 = arith.cmpf ogt, %get3A_81, %select_n3A_106 : vector<16xf32>
      %select_n3A_111 = arith.select %gt3A_110, %get3A_81, %select_n3A_106 : vector<16xi1>, vector<16xf32>
      %jit3A_112 = arith.constant 7.000000e+00 : f32
      %broadcast_in_dim3A_113 = vector.broadcast %jit3A_112 : f32 to vector<16xf32>
      %select_n3A_114 = arith.select %gt3A_110, %broadcast_in_dim3A_113, %select_n3A_109 : vector<16xi1>, vector<16xf32>
      %broadcast_in_dim3A_115 = arith.constant 0xFF800000 : f32
      %broadcast_in_dim3A_116 = vector.broadcast %broadcast_in_dim3A_115 : f32 to vector<16xf32>
      %broadcast_in_dim3A_117 = arith.constant 0.000000e+00 : f32
      %broadcast_in_dim3A_118 = vector.broadcast %broadcast_in_dim3A_117 : f32 to vector<16xf32>
      %gt3A_119 = arith.cmpf ogt, %get3A_46, %broadcast_in_dim3A_116 : vector<16xf32>
      %ne3A = arith.constant 0.000000e+00 : f32
      %ne3A_120 = vector.broadcast %ne3A : f32 to vector<16xf32>
      %ne3A_121 = arith.cmpf one, %select_n3A_114, %ne3A_120 : vector<16xf32>
      %and3A = arith.andi %gt3A_119, %ne3A_121 : vector<16xi1>
      %select_n3A_122 = arith.select %and3A, %get3A_46, %broadcast_in_dim3A_116 : vector<16xi1>, vector<16xf32>
      %jit3A_123 = arith.constant 0.000000e+00 : f32
      %broadcast_in_dim3A_124 = vector.broadcast %jit3A_123 : f32 to vector<16xf32>
      %select_n3A_125 = arith.select %and3A, %broadcast_in_dim3A_124, %broadcast_in_dim3A_118 : vector<16xi1>, vector<16xf32>
      %gt3A_126 = arith.cmpf ogt, %get3A_51, %select_n3A_122 : vector<16xf32>
      %ne3A_127 = arith.constant 1.000000e+00 : f32
      %ne3A_128 = vector.broadcast %ne3A_127 : f32 to vector<16xf32>
      %ne3A_129 = arith.cmpf one, %select_n3A_114, %ne3A_128 : vector<16xf32>
      %and3A_130 = arith.andi %gt3A_126, %ne3A_129 : vector<16xi1>
      %select_n3A_131 = arith.select %and3A_130, %get3A_51, %select_n3A_122 : vector<16xi1>, vector<16xf32>
      %jit3A_132 = arith.constant 1.000000e+00 : f32
      %broadcast_in_dim3A_133 = vector.broadcast %jit3A_132 : f32 to vector<16xf32>
      %select_n3A_134 = arith.select %and3A_130, %broadcast_in_dim3A_133, %select_n3A_125 : vector<16xi1>, vector<16xf32>
      %gt3A_135 = arith.cmpf ogt, %get3A_56, %select_n3A_131 : vector<16xf32>
      %ne3A_136 = arith.constant 2.000000e+00 : f32
      %ne3A_137 = vector.broadcast %ne3A_136 : f32 to vector<16xf32>
      %ne3A_138 = arith.cmpf one, %select_n3A_114, %ne3A_137 : vector<16xf32>
      %and3A_139 = arith.andi %gt3A_135, %ne3A_138 : vector<16xi1>
      %select_n3A_140 = arith.select %and3A_139, %get3A_56, %select_n3A_131 : vector<16xi1>, vector<16xf32>
      %jit3A_141 = arith.constant 2.000000e+00 : f32
      %broadcast_in_dim3A_142 = vector.broadcast %jit3A_141 : f32 to vector<16xf32>
      %select_n3A_143 = arith.select %and3A_139, %broadcast_in_dim3A_142, %select_n3A_134 : vector<16xi1>, vector<16xf32>
      %gt3A_144 = arith.cmpf ogt, %get3A_61, %select_n3A_140 : vector<16xf32>
      %ne3A_145 = arith.constant 3.000000e+00 : f32
      %ne3A_146 = vector.broadcast %ne3A_145 : f32 to vector<16xf32>
      %ne3A_147 = arith.cmpf one, %select_n3A_114, %ne3A_146 : vector<16xf32>
      %and3A_148 = arith.andi %gt3A_144, %ne3A_147 : vector<16xi1>
      %select_n3A_149 = arith.select %and3A_148, %get3A_61, %select_n3A_140 : vector<16xi1>, vector<16xf32>
      %jit3A_150 = arith.constant 3.000000e+00 : f32
      %broadcast_in_dim3A_151 = vector.broadcast %jit3A_150 : f32 to vector<16xf32>
      %select_n3A_152 = arith.select %and3A_148, %broadcast_in_dim3A_151, %select_n3A_143 : vector<16xi1>, vector<16xf32>
      %gt3A_153 = arith.cmpf ogt, %get3A_66, %select_n3A_149 : vector<16xf32>
      %ne3A_154 = arith.constant 4.000000e+00 : f32
      %ne3A_155 = vector.broadcast %ne3A_154 : f32 to vector<16xf32>
      %ne3A_156 = arith.cmpf one, %select_n3A_114, %ne3A_155 : vector<16xf32>
      %and3A_157 = arith.andi %gt3A_153, %ne3A_156 : vector<16xi1>
      %select_n3A_158 = arith.select %and3A_157, %get3A_66, %select_n3A_149 : vector<16xi1>, vector<16xf32>
      %jit3A_159 = arith.constant 4.000000e+00 : f32
      %broadcast_in_dim3A_160 = vector.broadcast %jit3A_159 : f32 to vector<16xf32>
      %select_n3A_161 = arith.select %and3A_157, %broadcast_in_dim3A_160, %select_n3A_152 : vector<16xi1>, vector<16xf32>
      %gt3A_162 = arith.cmpf ogt, %get3A_71, %select_n3A_158 : vector<16xf32>
      %ne3A_163 = arith.constant 5.000000e+00 : f32
      %ne3A_164 = vector.broadcast %ne3A_163 : f32 to vector<16xf32>
      %ne3A_165 = arith.cmpf one, %select_n3A_114, %ne3A_164 : vector<16xf32>
      %and3A_166 = arith.andi %gt3A_162, %ne3A_165 : vector<16xi1>
      %select_n3A_167 = arith.select %and3A_166, %get3A_71, %select_n3A_158 : vector<16xi1>, vector<16xf32>
      %jit3A_168 = arith.constant 5.000000e+00 : f32
      %broadcast_in_dim3A_169 = vector.broadcast %jit3A_168 : f32 to vector<16xf32>
      %select_n3A_170 = arith.select %and3A_166, %broadcast_in_dim3A_169, %select_n3A_161 : vector<16xi1>, vector<16xf32>
      %gt3A_171 = arith.cmpf ogt, %get3A_76, %select_n3A_167 : vector<16xf32>
      %ne3A_172 = arith.constant 6.000000e+00 : f32
      %ne3A_173 = vector.broadcast %ne3A_172 : f32 to vector<16xf32>
      %ne3A_174 = arith.cmpf one, %select_n3A_114, %ne3A_173 : vector<16xf32>
      %and3A_175 = arith.andi %gt3A_171, %ne3A_174 : vector<16xi1>
      %select_n3A_176 = arith.select %and3A_175, %get3A_76, %select_n3A_167 : vector<16xi1>, vector<16xf32>
      %jit3A_177 = arith.constant 6.000000e+00 : f32
      %broadcast_in_dim3A_178 = vector.broadcast %jit3A_177 : f32 to vector<16xf32>
      %select_n3A_179 = arith.select %and3A_175, %broadcast_in_dim3A_178, %select_n3A_170 : vector<16xi1>, vector<16xf32>
      %gt3A_180 = arith.cmpf ogt, %get3A_81, %select_n3A_176 : vector<16xf32>
      %ne3A_181 = arith.constant 7.000000e+00 : f32
      %ne3A_182 = vector.broadcast %ne3A_181 : f32 to vector<16xf32>
      %ne3A_183 = arith.cmpf one, %select_n3A_114, %ne3A_182 : vector<16xf32>
      %and3A_184 = arith.andi %gt3A_180, %ne3A_183 : vector<16xi1>
      %select_n3A_185 = arith.select %and3A_184, %get3A_81, %select_n3A_176 : vector<16xi1>, vector<16xf32>
      %jit3A_186 = arith.constant 7.000000e+00 : f32
      %broadcast_in_dim3A_187 = vector.broadcast %jit3A_186 : f32 to vector<16xf32>
      %select_n3A_188 = arith.select %and3A_184, %broadcast_in_dim3A_187, %select_n3A_179 : vector<16xi1>, vector<16xf32>
      %sub3A = arith.subf %select_n3A_185, %select_n3A_111 : vector<16xf32>
      %exp3A = math.exp %sub3A : vector<16xf32>
      %add3A_189 = arith.constant 1.000000e+00 : f32
      %add3A_190 = vector.broadcast %add3A_189 : f32 to vector<16xf32>
      %add3A_191 = arith.addf %add3A_190, %exp3A : vector<16xf32>
      %div3A = arith.constant 1.000000e+00 : f32
      %div3A_192 = vector.broadcast %div3A : f32 to vector<16xf32>
      %div3A_193 = arith.divf %div3A_192, %add3A_191 : vector<16xf32>
      %sub3A_194 = arith.constant 1.000000e+00 : f32
      %sub3A_195 = vector.broadcast %sub3A_194 : f32 to vector<16xf32>
      %sub3A_196 = arith.subf %sub3A_195, %div3A_193 : vector<16xf32>
      %broadcast_in_dim3A_197 = arith.constant 0.000000e+00 : f32
      %broadcast_in_dim3A_198 = vector.broadcast %broadcast_in_dim3A_197 : f32 to vector<16xf32>
      %eq3A = arith.constant 0.000000e+00 : f32
      %eq3A_199 = vector.broadcast %eq3A : f32 to vector<16xf32>
      %eq3A_200 = arith.cmpf oeq, %select_n3A_114, %eq3A_199 : vector<16xf32>
      %eq3A_201 = arith.constant 0.000000e+00 : f32
      %eq3A_202 = vector.broadcast %eq3A_201 : f32 to vector<16xf32>
      %eq3A_203 = arith.cmpf oeq, %select_n3A_188, %eq3A_202 : vector<16xf32>
      %select_n3A_204 = arith.select %eq3A_203, %sub3A_196, %broadcast_in_dim3A_198 : vector<16xi1>, vector<16xf32>
      %select_n3A_205 = arith.select %eq3A_200, %div3A_193, %select_n3A_204 : vector<16xi1>, vector<16xf32>
      %add3A_206 = arith.constant 0 : i32
      %add3A_207 = arith.addi %add3A_206, %mul3A_42 : i32
      %get3A_208 = arith.index_cast %add3A_207 : i32 to index
      %get3A_209 = tpu.vector_load %arg6[%get3A_208] {strides = array<i32>} : memref<8192xf32, #tpu.memory_space<vmem>>, vector<16xf32>,
      %get3A_210 = vector.shape_cast %get3A_209 : vector<16xf32> to vector<16xf32>
      %mul3A_211 = arith.mulf %select_n3A_205, %get3A_210 : vector<16xf32>
      %add3A_212 = arith.addf %broadcast_in_dim3A_198, %mul3A_211 : vector<16xf32>
      %eq3A_213 = arith.constant 1.000000e+00 : f32
      %eq3A_214 = vector.broadcast %eq3A_213 : f32 to vector<16xf32>
      %eq3A_215 = arith.cmpf oeq, %select_n3A_114, %eq3A_214 : vector<16xf32>
      %eq3A_216 = arith.constant 1.000000e+00 : f32
      %eq3A_217 = vector.broadcast %eq3A_216 : f32 to vector<16xf32>
      %eq3A_218 = arith.cmpf oeq, %select_n3A_188, %eq3A_217 : vector<16xf32>
      %select_n3A_219 = arith.select %eq3A_218, %sub3A_196, %broadcast_in_dim3A_198 : vector<16xi1>, vector<16xf32>
      %select_n3A_220 = arith.select %eq3A_215, %div3A_193, %select_n3A_219 : vector<16xi1>, vector<16xf32>
      %add3A_221 = arith.constant 1024 : i32
      %add3A_222 = arith.addi %add3A_221, %mul3A_42 : i32
      %get3A_223 = arith.index_cast %add3A_222 : i32 to index
      %get3A_224 = tpu.vector_load %arg6[%get3A_223] {strides = array<i32>} : memref<8192xf32, #tpu.memory_space<vmem>>, vector<16xf32>,
      %get3A_225 = vector.shape_cast %get3A_224 : vector<16xf32> to vector<16xf32>
      %mul3A_226 = arith.mulf %select_n3A_220, %get3A_225 : vector<16xf32>
      %add3A_227 = arith.addf %add3A_212, %mul3A_226 : vector<16xf32>
      %eq3A_228 = arith.constant 2.000000e+00 : f32
      %eq3A_229 = vector.broadcast %eq3A_228 : f32 to vector<16xf32>
      %eq3A_230 = arith.cmpf oeq, %select_n3A_114, %eq3A_229 : vector<16xf32>
      %eq3A_231 = arith.constant 2.000000e+00 : f32
      %eq3A_232 = vector.broadcast %eq3A_231 : f32 to vector<16xf32>
      %eq3A_233 = arith.cmpf oeq, %select_n3A_188, %eq3A_232 : vector<16xf32>
      %select_n3A_234 = arith.select %eq3A_233, %sub3A_196, %broadcast_in_dim3A_198 : vector<16xi1>, vector<16xf32>
      %select_n3A_235 = arith.select %eq3A_230, %div3A_193, %select_n3A_234 : vector<16xi1>, vector<16xf32>
      %add3A_236 = arith.constant 2048 : i32
      %add3A_237 = arith.addi %add3A_236, %mul3A_42 : i32
      %get3A_238 = arith.index_cast %add3A_237 : i32 to index
      %get3A_239 = tpu.vector_load %arg6[%get3A_238] {strides = array<i32>} : memref<8192xf32, #tpu.memory_space<vmem>>, vector<16xf32>,
      %get3A_240 = vector.shape_cast %get3A_239 : vector<16xf32> to vector<16xf32>
      %mul3A_241 = arith.mulf %select_n3A_235, %get3A_240 : vector<16xf32>
      %add3A_242 = arith.addf %add3A_227, %mul3A_241 : vector<16xf32>
      %eq3A_243 = arith.constant 3.000000e+00 : f32
      %eq3A_244 = vector.broadcast %eq3A_243 : f32 to vector<16xf32>
      %eq3A_245 = arith.cmpf oeq, %select_n3A_114, %eq3A_244 : vector<16xf32>
      %eq3A_246 = arith.constant 3.000000e+00 : f32
      %eq3A_247 = vector.broadcast %eq3A_246 : f32 to vector<16xf32>
      %eq3A_248 = arith.cmpf oeq, %select_n3A_188, %eq3A_247 : vector<16xf32>
      %select_n3A_249 = arith.select %eq3A_248, %sub3A_196, %broadcast_in_dim3A_198 : vector<16xi1>, vector<16xf32>
      %select_n3A_250 = arith.select %eq3A_245, %div3A_193, %select_n3A_249 : vector<16xi1>, vector<16xf32>
      %add3A_251 = arith.constant 3072 : i32
      %add3A_252 = arith.addi %add3A_251, %mul3A_42 : i32
      %get3A_253 = arith.index_cast %add3A_252 : i32 to index
      %get3A_254 = tpu.vector_load %arg6[%get3A_253] {strides = array<i32>} : memref<8192xf32, #tpu.memory_space<vmem>>, vector<16xf32>,
      %get3A_255 = vector.shape_cast %get3A_254 : vector<16xf32> to vector<16xf32>
      %mul3A_256 = arith.mulf %select_n3A_250, %get3A_255 : vector<16xf32>
      %add3A_257 = arith.addf %add3A_242, %mul3A_256 : vector<16xf32>
      %eq3A_258 = arith.constant 4.000000e+00 : f32
      %eq3A_259 = vector.broadcast %eq3A_258 : f32 to vector<16xf32>
      %eq3A_260 = arith.cmpf oeq, %select_n3A_114, %eq3A_259 : vector<16xf32>
      %eq3A_261 = arith.constant 4.000000e+00 : f32
      %eq3A_262 = vector.broadcast %eq3A_261 : f32 to vector<16xf32>
      %eq3A_263 = arith.cmpf oeq, %select_n3A_188, %eq3A_262 : vector<16xf32>
      %select_n3A_264 = arith.select %eq3A_263, %sub3A_196, %broadcast_in_dim3A_198 : vector<16xi1>, vector<16xf32>
      %select_n3A_265 = arith.select %eq3A_260, %div3A_193, %select_n3A_264 : vector<16xi1>, vector<16xf32>
      %add3A_266 = arith.constant 4096 : i32
      %add3A_267 = arith.addi %add3A_266, %mul3A_42 : i32
      %get3A_268 = arith.index_cast %add3A_267 : i32 to index
      %get3A_269 = tpu.vector_load %arg6[%get3A_268] {strides = array<i32>} : memref<8192xf32, #tpu.memory_space<vmem>>, vector<16xf32>,
      %get3A_270 = vector.shape_cast %get3A_269 : vector<16xf32> to vector<16xf32>
      %mul3A_271 = arith.mulf %select_n3A_265, %get3A_270 : vector<16xf32>
      %add3A_272 = arith.addf %add3A_257, %mul3A_271 : vector<16xf32>
      %eq3A_273 = arith.constant 5.000000e+00 : f32
      %eq3A_274 = vector.broadcast %eq3A_273 : f32 to vector<16xf32>
      %eq3A_275 = arith.cmpf oeq, %select_n3A_114, %eq3A_274 : vector<16xf32>
      %eq3A_276 = arith.constant 5.000000e+00 : f32
      %eq3A_277 = vector.broadcast %eq3A_276 : f32 to vector<16xf32>
      %eq3A_278 = arith.cmpf oeq, %select_n3A_188, %eq3A_277 : vector<16xf32>
      %select_n3A_279 = arith.select %eq3A_278, %sub3A_196, %broadcast_in_dim3A_198 : vector<16xi1>, vector<16xf32>
      %select_n3A_280 = arith.select %eq3A_275, %div3A_193, %select_n3A_279 : vector<16xi1>, vector<16xf32>
      %add3A_281 = arith.constant 5120 : i32
      %add3A_282 = arith.addi %add3A_281, %mul3A_42 : i32
      %get3A_283 = arith.index_cast %add3A_282 : i32 to index
      %get3A_284 = tpu.vector_load %arg6[%get3A_283] {strides = array<i32>} : memref<8192xf32, #tpu.memory_space<vmem>>, vector<16xf32>,
      %get3A_285 = vector.shape_cast %get3A_284 : vector<16xf32> to vector<16xf32>
      %mul3A_286 = arith.mulf %select_n3A_280, %get3A_285 : vector<16xf32>
      %add3A_287 = arith.addf %add3A_272, %mul3A_286 : vector<16xf32>
      %eq3A_288 = arith.constant 6.000000e+00 : f32
      %eq3A_289 = vector.broadcast %eq3A_288 : f32 to vector<16xf32>
      %eq3A_290 = arith.cmpf oeq, %select_n3A_114, %eq3A_289 : vector<16xf32>
      %eq3A_291 = arith.constant 6.000000e+00 : f32
      %eq3A_292 = vector.broadcast %eq3A_291 : f32 to vector<16xf32>
      %eq3A_293 = arith.cmpf oeq, %select_n3A_188, %eq3A_292 : vector<16xf32>
      %select_n3A_294 = arith.select %eq3A_293, %sub3A_196, %broadcast_in_dim3A_198 : vector<16xi1>, vector<16xf32>
      %select_n3A_295 = arith.select %eq3A_290, %div3A_193, %select_n3A_294 : vector<16xi1>, vector<16xf32>
      %add3A_296 = arith.constant 6144 : i32
      %add3A_297 = arith.addi %add3A_296, %mul3A_42 : i32
      %get3A_298 = arith.index_cast %add3A_297 : i32 to index
      %get3A_299 = tpu.vector_load %arg6[%get3A_298] {strides = array<i32>} : memref<8192xf32, #tpu.memory_space<vmem>>, vector<16xf32>,
      %get3A_300 = vector.shape_cast %get3A_299 : vector<16xf32> to vector<16xf32>
      %mul3A_301 = arith.mulf %select_n3A_295, %get3A_300 : vector<16xf32>
      %add3A_302 = arith.addf %add3A_287, %mul3A_301 : vector<16xf32>
      %eq3A_303 = arith.constant 7.000000e+00 : f32
      %eq3A_304 = vector.broadcast %eq3A_303 : f32 to vector<16xf32>
      %eq3A_305 = arith.cmpf oeq, %select_n3A_114, %eq3A_304 : vector<16xf32>
      %eq3A_306 = arith.constant 7.000000e+00 : f32
      %eq3A_307 = vector.broadcast %eq3A_306 : f32 to vector<16xf32>
      %eq3A_308 = arith.cmpf oeq, %select_n3A_188, %eq3A_307 : vector<16xf32>
      %select_n3A_309 = arith.select %eq3A_308, %sub3A_196, %broadcast_in_dim3A_198 : vector<16xi1>, vector<16xf32>
      %select_n3A_310 = arith.select %eq3A_305, %div3A_193, %select_n3A_309 : vector<16xi1>, vector<16xf32>
      %add3A_311 = arith.constant 7168 : i32
      %add3A_312 = arith.addi %add3A_311, %mul3A_42 : i32
      %get3A_313 = arith.index_cast %add3A_312 : i32 to index
      %get3A_314 = tpu.vector_load %arg6[%get3A_313] {strides = array<i32>} : memref<8192xf32, #tpu.memory_space<vmem>>, vector<16xf32>,
      %get3A_315 = vector.shape_cast %get3A_314 : vector<16xf32> to vector<16xf32>
      %mul3A_316 = arith.mulf %select_n3A_310, %get3A_315 : vector<16xf32>
      %add3A_317 = arith.addf %add3A_302, %mul3A_316 : vector<16xf32>
      %swap3A = arith.index_cast %mul3A_42 : i32 to index
      %swap3A_318 = tpu.vector_load %arg7[%swap3A] {strides = array<i32>} : memref<1024xf32, #tpu.memory_space<vmem>>, vector<16xf32>,
      %swap3A_319 = vector.shape_cast %swap3A_318 : vector<16xf32> to vector<16xf32>
      %swap3A_320 = vector.shape_cast %add3A_317 : vector<16xf32> to vector<16xf32>
      tpu.vector_store %arg7[%swap3A], %swap3A_320 {strides = array<i32>} : memref<1024xf32, #tpu.memory_space<vmem>>, vector<16xf32>,
    }
    %scan3A_39 = arith.constant 64 : i32
    "tpu.region"() ({
      %run_scoped3A = tpu.sem_alloc : memref<!tpu.dma_semaphore, #tpu.memory_space<semaphore_mem>>
      %dma_start3A = tpu.memref_slice %arg4[%mul3A_2] : memref<32768xf32, #tpu.memory_space<hbm>> -> memref<1024xf32, #tpu.memory_space<hbm>>
      %dma_start3A_40 = tpu.memref_slice %arg4[%mul3A_2] : memref<32768xf32, #tpu.memory_space<hbm>> -> memref<1024xf32, #tpu.memory_space<hbm>>
      tpu.enqueue_dma source(%arg7 : memref<1024xf32, #tpu.memory_space<vmem>>) target(%dma_start3A_40 : memref<1024xf32, #tpu.memory_space<hbm>>) target_semaphore(%run_scoped3A : memref<!tpu.dma_semaphore, #tpu.memory_space<semaphore_mem>>)
      %dma_wait3A = tpu.memref_slice %arg4[%mul3A_2] : memref<32768xf32, #tpu.memory_space<hbm>> -> memref<1024xf32, #tpu.memory_space<hbm>>
      %dma_wait3A_41 = tpu.memref_slice %arg4[%mul3A_2] : memref<32768xf32, #tpu.memory_space<hbm>> -> memref<1024xf32, #tpu.memory_space<hbm>>
      tpu.wait_dma2 semaphore(%run_scoped3A : memref<!tpu.dma_semaphore, #tpu.memory_space<semaphore_mem>>) src(%arg7 : memref<1024xf32, #tpu.memory_space<vmem>>) dst(%dma_wait3A_41 : memref<1024xf32, #tpu.memory_space<hbm>>)
      tpu.yield
    }) : () -> ()
    return
  }
}

module attributes {stable_mosaic.version = 14 : i64} {
  func.func @_expert_body(%arg0: i32, %arg1: memref<10x2048xf32, #tpu.memory_space<vmem>>, %arg2: memref<8x10xf32, #tpu.memory_space<vmem>>, %arg3: memref<8x1xf32, #tpu.memory_space<vmem>>, %arg4: memref<512x10xbf16, #tpu.memory_space<vmem>>, %arg5: memref<512x1xf32, #tpu.memory_space<vmem>>, %arg6: memref<2x256x256xbf16, #tpu.memory_space<vmem>>, %arg7: memref<512x1xf32, #tpu.memory_space<vmem>>, %arg8: memref<8x512xbf16, #tpu.memory_space<vmem>>, %arg9: memref<8x1xf32, #tpu.memory_space<vmem>>, %arg10: memref<8x2048xf32, #tpu.memory_space<vmem>>, %arg11: memref<8x2048xf32, #tpu.memory_space<vmem>>) attributes {dimension_semantics = [#tpu.dimension_semantics<arbitrary>], iteration_bounds = array<i64: 16>, scalar_prefetch = 0 : i64, scratch_operands = 0 : i64, tpu.core_type = #tpu.core_type<tc>, window_params = [{transform_indices = @transform_0, window_bounds = array<i64: 10, 2048>}, {pipeline_mode = #tpu.pipeline_mode<synchronous>, transform_indices = @transform_1, window_bounds = array<i64: 8, 10>}, {pipeline_mode = #tpu.pipeline_mode<synchronous>, transform_indices = @transform_2, window_bounds = array<i64: 8, 1>}, {pipeline_mode = #tpu.pipeline_mode<synchronous>, transform_indices = @transform_3, window_bounds = array<i64: 512, 10>}, {pipeline_mode = #tpu.pipeline_mode<synchronous>, transform_indices = @transform_4, window_bounds = array<i64: 512, 1>}, {pipeline_mode = #tpu.pipeline_mode<synchronous>, transform_indices = @transform_5, window_bounds = array<i64: 2, 256, 256>}, {pipeline_mode = #tpu.pipeline_mode<synchronous>, transform_indices = @transform_6, window_bounds = array<i64: 512, 1>}, {pipeline_mode = #tpu.pipeline_mode<synchronous>, transform_indices = @transform_7, window_bounds = array<i64: 8, 512>}, {pipeline_mode = #tpu.pipeline_mode<synchronous>, transform_indices = @transform_8, window_bounds = array<i64: 8, 1>}, {transform_indices = @transform_9, window_bounds = array<i64: 8, 2048>}, {transform_indices = @transform_10, window_bounds = array<i64: 8, 2048>}]} {
    %get3A = arith.constant 0 : index
    %get3A_0 = arith.constant 0 : index
    %get3A_1 = vector.load %arg1[%get3A, %get3A_0] : memref<10x2048xf32, #tpu.memory_space<vmem>>, vector<10x2048xf32>
    %get3A_2 = arith.constant 0 : index
    %get3A_3 = arith.constant 0 : index
    %get3A_4 = vector.load %arg2[%get3A_2, %get3A_3] : memref<8x10xf32, #tpu.memory_space<vmem>>, vector<8x10xf32>
    %dot_general3A = arith.constant dense<0.000000e+00> : vector<8x2048xf32>
    %dot_general3A_5 = tpu.matmul %get3A_4, %get3A_1, %dot_general3A {dimension_numbers = #tpu.dot_dimension_numbers<[1], [0], [0], [1], [0, 0, 1, 1], [], []>, transpose_lhs_hint = false} : vector<8x10xf32>, vector<10x2048xf32>, vector<8x2048xf32> -> vector<8x2048xf32>
    %get3A_6 = arith.constant 0 : index
    %get3A_7 = arith.constant 0 : index
    %get3A_8 = vector.load %arg3[%get3A_6, %get3A_7] : memref<8x1xf32, #tpu.memory_space<vmem>>, vector<8x1xf32>
    %add3A = vector.broadcast %get3A_8 : vector<8x1xf32> to vector<8x2048xf32>
    %add3A_9 = arith.addf %dot_general3A_5, %add3A : vector<8x2048xf32>
    %swap3A = arith.constant 0 : index
    %swap3A_10 = arith.constant 0 : index
    %swap3A_11 = vector.load %arg10[%swap3A, %swap3A_10] : memref<8x2048xf32, #tpu.memory_space<vmem>>, vector<8x2048xf32>
    tpu.vector_store %arg10[%swap3A, %swap3A_10], %add3A_9 {strides = array<i32>} : memref<8x2048xf32, #tpu.memory_space<vmem>>, vector<8x2048xf32>,
    %get3A_12 = arith.constant 0 : index
    %get3A_13 = arith.constant 0 : index
    %get3A_14 = vector.load %arg4[%get3A_12, %get3A_13] : memref<512x10xbf16, #tpu.memory_space<vmem>>, vector<512x10xbf16>
    %convert_element_type3A = arith.truncf %get3A_1 : vector<10x2048xf32> to vector<10x2048xbf16>
    %dot_general3A_15 = arith.constant dense<0.000000e+00> : vector<512x2048xf32>
    %dot_general3A_16 = tpu.matmul %get3A_14, %convert_element_type3A, %dot_general3A_15 {dimension_numbers = #tpu.dot_dimension_numbers<[1], [0], [0], [1], [0, 0, 1, 1], [], []>, transpose_lhs_hint = false} : vector<512x10xbf16>, vector<10x2048xbf16>, vector<512x2048xf32> -> vector<512x2048xf32>
    %get3A_17 = arith.constant 0 : index
    %get3A_18 = arith.constant 0 : index
    %get3A_19 = vector.load %arg5[%get3A_17, %get3A_18] : memref<512x1xf32, #tpu.memory_space<vmem>>, vector<512x1xf32>
    %add3A_20 = vector.broadcast %get3A_19 : vector<512x1xf32> to vector<512x2048xf32>
    %add3A_21 = arith.addf %dot_general3A_16, %add3A_20 : vector<512x2048xf32>
    %max3A = arith.constant 0.000000e+00 : f32
    %max3A_22 = vector.broadcast %max3A : f32 to vector<512x2048xf32>
    %max3A_23 = arith.maximumf %add3A_21, %max3A_22 : vector<512x2048xf32>
    %convert_element_type3A_24 = arith.truncf %max3A_23 : vector<512x2048xf32> to vector<512x2048xbf16>
    %get3A_25 = arith.constant 0 : index
    %get3A_26 = arith.constant 0 : index
    %get3A_27 = arith.constant 0 : index
    %get3A_28 = vector.load %arg6[%get3A_25, %get3A_26, %get3A_27] : memref<2x256x256xbf16, #tpu.memory_space<vmem>>, vector<1x256x256xbf16>
    %get3A_29 = vector.shape_cast %get3A_28 : vector<1x256x256xbf16> to vector<256x256xbf16>
    %slice3A = vector.extract_strided_slice %convert_element_type3A_24 {offsets = [0, 0], sizes = [256, 2048], strides = [1, 1]} : vector<512x2048xbf16> to vector<256x2048xbf16>
    %dot_general3A_30 = arith.constant dense<0.000000e+00> : vector<256x2048xf32>
    %dot_general3A_31 = tpu.matmul %get3A_29, %slice3A, %dot_general3A_30 {dimension_numbers = #tpu.dot_dimension_numbers<[1], [0], [0], [1], [0, 0, 1, 1], [], []>, transpose_lhs_hint = false} : vector<256x256xbf16>, vector<256x2048xbf16>, vector<256x2048xf32> -> vector<256x2048xf32>
    %get3A_32 = arith.constant 0 : index
    %get3A_33 = arith.constant 0 : index
    %get3A_34 = vector.load %arg7[%get3A_32, %get3A_33] : memref<512x1xf32, #tpu.memory_space<vmem>>, vector<256x1xf32>
    %add3A_35 = vector.broadcast %get3A_34 : vector<256x1xf32> to vector<256x2048xf32>
    %add3A_36 = arith.addf %dot_general3A_31, %add3A_35 : vector<256x2048xf32>
    %max3A_37 = arith.constant 0.000000e+00 : f32
    %max3A_38 = vector.broadcast %max3A_37 : f32 to vector<256x2048xf32>
    %max3A_39 = arith.maximumf %add3A_36, %max3A_38 : vector<256x2048xf32>
    %get3A_40 = arith.constant 1 : index
    %get3A_41 = arith.constant 0 : index
    %get3A_42 = arith.constant 0 : index
    %get3A_43 = vector.load %arg6[%get3A_40, %get3A_41, %get3A_42] : memref<2x256x256xbf16, #tpu.memory_space<vmem>>, vector<1x256x256xbf16>
    %get3A_44 = vector.shape_cast %get3A_43 : vector<1x256x256xbf16> to vector<256x256xbf16>
    %slice3A_45 = vector.extract_strided_slice %convert_element_type3A_24 {offsets = [256, 0], sizes = [256, 2048], strides = [1, 1]} : vector<512x2048xbf16> to vector<256x2048xbf16>
    %dot_general3A_46 = arith.constant dense<0.000000e+00> : vector<256x2048xf32>
    %dot_general3A_47 = tpu.matmul %get3A_44, %slice3A_45, %dot_general3A_46 {dimension_numbers = #tpu.dot_dimension_numbers<[1], [0], [0], [1], [0, 0, 1, 1], [], []>, transpose_lhs_hint = false} : vector<256x256xbf16>, vector<256x2048xbf16>, vector<256x2048xf32> -> vector<256x2048xf32>
    %get3A_48 = arith.constant 256 : index
    %get3A_49 = arith.constant 0 : index
    %get3A_50 = vector.load %arg7[%get3A_48, %get3A_49] : memref<512x1xf32, #tpu.memory_space<vmem>>, vector<256x1xf32>
    %add3A_51 = vector.broadcast %get3A_50 : vector<256x1xf32> to vector<256x2048xf32>
    %add3A_52 = arith.addf %dot_general3A_47, %add3A_51 : vector<256x2048xf32>
    %max3A_53 = arith.constant 0.000000e+00 : f32
    %max3A_54 = vector.broadcast %max3A_53 : f32 to vector<256x2048xf32>
    %max3A_55 = arith.maximumf %add3A_52, %max3A_54 : vector<256x2048xf32>
    %get3A_56 = arith.constant 0 : index
    %get3A_57 = arith.constant 0 : index
    %get3A_58 = vector.load %arg8[%get3A_56, %get3A_57] : memref<8x512xbf16, #tpu.memory_space<vmem>>, vector<8x256xbf16>
    %convert_element_type3A_59 = arith.truncf %max3A_39 : vector<256x2048xf32> to vector<256x2048xbf16>
    %dot_general3A_60 = arith.constant dense<0.000000e+00> : vector<8x2048xf32>
    %dot_general3A_61 = tpu.matmul %get3A_58, %convert_element_type3A_59, %dot_general3A_60 {dimension_numbers = #tpu.dot_dimension_numbers<[1], [0], [0], [1], [0, 0, 1, 1], [], []>, transpose_lhs_hint = false} : vector<8x256xbf16>, vector<256x2048xbf16>, vector<8x2048xf32> -> vector<8x2048xf32>
    %get3A_62 = arith.constant 0 : index
    %get3A_63 = arith.constant 256 : index
    %get3A_64 = vector.load %arg8[%get3A_62, %get3A_63] : memref<8x512xbf16, #tpu.memory_space<vmem>>, vector<8x256xbf16>
    %convert_element_type3A_65 = arith.truncf %max3A_55 : vector<256x2048xf32> to vector<256x2048xbf16>
    %dot_general3A_66 = arith.constant dense<0.000000e+00> : vector<8x2048xf32>
    %dot_general3A_67 = tpu.matmul %get3A_64, %convert_element_type3A_65, %dot_general3A_66 {dimension_numbers = #tpu.dot_dimension_numbers<[1], [0], [0], [1], [0, 0, 1, 1], [], []>, transpose_lhs_hint = false} : vector<8x256xbf16>, vector<256x2048xbf16>, vector<8x2048xf32> -> vector<8x2048xf32>
    %add3A_68 = arith.addf %dot_general3A_61, %dot_general3A_67 : vector<8x2048xf32>
    %get3A_69 = arith.constant 0 : index
    %get3A_70 = arith.constant 0 : index
    %get3A_71 = vector.load %arg9[%get3A_69, %get3A_70] : memref<8x1xf32, #tpu.memory_space<vmem>>, vector<8x1xf32>
    %add3A_72 = vector.broadcast %get3A_71 : vector<8x1xf32> to vector<8x2048xf32>
    %add3A_73 = arith.addf %add3A_68, %add3A_72 : vector<8x2048xf32>
    %swap3A_74 = arith.constant 0 : index
    %swap3A_75 = arith.constant 0 : index
    %swap3A_76 = vector.load %arg11[%swap3A_74, %swap3A_75] : memref<8x2048xf32, #tpu.memory_space<vmem>>, vector<8x2048xf32>
    tpu.vector_store %arg11[%swap3A_74, %swap3A_75], %add3A_73 {strides = array<i32>} : memref<8x2048xf32, #tpu.memory_space<vmem>>, vector<8x2048xf32>,
    return
  }
  func.func @transform_0(%arg0: i32) -> (i32, i32) {
    %c0_i32 = arith.constant 0 : i32
    %c0_i32_0 = arith.constant 0 : i32
    return %c0_i32, %arg0 : i32, i32
  }
  func.func @transform_1(%arg0: i32) -> (i32, i32) {
    %c0_i32 = arith.constant 0 : i32
    %c0_i32_0 = arith.constant 0 : i32
    %c0_i32_1 = arith.constant 0 : i32
    return %c0_i32, %c0_i32_0 : i32, i32
  }
  func.func @transform_2(%arg0: i32) -> (i32, i32) {
    %c0_i32 = arith.constant 0 : i32
    %c0_i32_0 = arith.constant 0 : i32
    %c0_i32_1 = arith.constant 0 : i32
    return %c0_i32, %c0_i32_0 : i32, i32
  }
  func.func @transform_3(%arg0: i32) -> (i32, i32) {
    %c0_i32 = arith.constant 0 : i32
    %c0_i32_0 = arith.constant 0 : i32
    %c0_i32_1 = arith.constant 0 : i32
    return %c0_i32, %c0_i32_0 : i32, i32
  }
  func.func @transform_4(%arg0: i32) -> (i32, i32) {
    %c0_i32 = arith.constant 0 : i32
    %c0_i32_0 = arith.constant 0 : i32
    %c0_i32_1 = arith.constant 0 : i32
    return %c0_i32, %c0_i32_0 : i32, i32
  }
  func.func @transform_5(%arg0: i32) -> (i32, i32, i32) {
    %c0_i32 = arith.constant 0 : i32
    %c0_i32_0 = arith.constant 0 : i32
    %c0_i32_1 = arith.constant 0 : i32
    %c0_i32_2 = arith.constant 0 : i32
    return %c0_i32, %c0_i32_0, %c0_i32_1 : i32, i32, i32
  }
  func.func @transform_6(%arg0: i32) -> (i32, i32) {
    %c0_i32 = arith.constant 0 : i32
    %c0_i32_0 = arith.constant 0 : i32
    %c0_i32_1 = arith.constant 0 : i32
    return %c0_i32, %c0_i32_0 : i32, i32
  }
  func.func @transform_7(%arg0: i32) -> (i32, i32) {
    %c0_i32 = arith.constant 0 : i32
    %c0_i32_0 = arith.constant 0 : i32
    %c0_i32_1 = arith.constant 0 : i32
    return %c0_i32, %c0_i32_0 : i32, i32
  }
  func.func @transform_8(%arg0: i32) -> (i32, i32) {
    %c0_i32 = arith.constant 0 : i32
    %c0_i32_0 = arith.constant 0 : i32
    %c0_i32_1 = arith.constant 0 : i32
    return %c0_i32, %c0_i32_0 : i32, i32
  }
  func.func @transform_9(%arg0: i32) -> (i32, i32) {
    %c0_i32 = arith.constant 0 : i32
    %c0_i32_0 = arith.constant 0 : i32
    return %c0_i32, %arg0 : i32, i32
  }
  func.func @transform_10(%arg0: i32) -> (i32, i32) {
    %c0_i32 = arith.constant 0 : i32
    %c0_i32_0 = arith.constant 0 : i32
    return %c0_i32, %arg0 : i32, i32
  }
}

</mosaic_0001>

<sc_bundles>
// kernel: kernel.4.cloned.1.call-start
scs
__scs_entry_jumppad:
0x0: {  	(pc) =	sbr.rel $0x88, $3  }
0x1: {  	(tag) =	ssettag $0x0;
	lr =	simm.s32 $0x1  }
0x2: {  	[smem:$0x3F98] =	sst lr;
	_ =	strace $0xD0000000  }
0x3: {  	_ = 	snop  }
0x4: {  	_ = 	snop  }
0x5: {  	_ = 	snop  }
0x6: {  	_ = 	snop  }
0x7: {  	_ = 	snop  }
__scs_overlays_trampoline_lowered:
0x8: {  	[smem:$0x3FA7] =	sst s0  }
0x9: {  	[smem:$0x3FA8] =	sst s1  }
0xa: {  	[smem:$0x3FA9] =	sst s2  }
0xb: {  	[smem:$0x3FAA] =	sst s3  }
0xc: {  	[smem:$0x3FAB] =	sst s4  }
0xd: {  	[smem:$0x3FAC] =	sst s5  }
0xe: {  	[smem:$0x3FAD] =	sst s6  }
0xf: {  	[smem:$0x3FAE] =	sst s7  }
0x10: {  	[smem:$0x3FAF] =	sst s8  }
0x11: {  	[smem:$0x3FB0] =	sst s9;
	s0 =	simm.s32 @!p0 $0x0  }
0x12: {  	s1 =	sld [smem:$0x3F96];
	s0 =	simm.s32 @p0 $0x1  }
0x13: {  	[smem:$0x3FB1] =	sst s0;
	s0 =	simm.s32 @!p1 $0x0  }
0x14: {  	s2 =	sld [smem:$0x3F95];
	s0 =	simm.s32 @p1 $0x1  }
0x15: {  	[smem:$0x3FB2] =	sst s0;
	s0 =	simm.s32 @!p2 $0x0  }
0x16: {  	s3 =	sld [smem:$0x3FDB];
	s0 =	simm.s32 @p2 $0x1  }
0x17: {  	s4 =	simm.s32 $0x1BF5;
	[smem:$0x3FB4] =	sst s0  }
0x18: {  	s0 =	sld [smem:$0x3F97];
	_ =	swait.ge [sflag:s4], $0x0  }
0x19: {  	s7 =	sld [smem:$0x3F98]  }
0x1a: {  	s8 =	sadd.s32 $0xFFFFE003, lr  }
0x1b: {  	s9 =	sadd.s32 $0xFFFFFEF7, lr;
	s5 =	simm.s32 $0xFFFFFFFF;
	p2 =	slt.u32 s8, $0xFFFFF086  }
0x1c: {  	p1 =	slt.u32 s9, $0xF7A;
	s5 =	simm.s32 @!p2 $0x0  }
0x1d: {  	s5 =	simm.s32 @p1 $0x1;
	p0 =	seq.s32 s7, s2  }
0x1e: {  	s7 =	smul.u32 @!p0 $0xF7A, s2;
	p2 =	seq.s32 @!p0 s5, $0x0  }
0x1f: {  	s9 =	smul.u32 $0xF7A, s1;
	s8 =	simm.s32 @!p0 $0x1BF5;
	p2 =	por !p2, p0  }
0x20: {  	[sflag:s8] =	ssyncset.s32 @!p0 $0xFFFFF086;
	s6 =	sadd.s32 @!p0 s3, s7;
	s7 =	simm.s32 @!p0 $0x108  }
0x21: {  	s3 =	sadd.s32 s3, s9;
	s6 =	sadd.s32 @!p0 $0x88, s6;
	s7 =	simm.s32 @p2 $0x1082  }
0x22: {  	[simem:s7], [sflag:s8] =	dma.local @!p0 [hbm:s6], $0xF7A  }
0x23: {  	s9 =	sor.u32 $0xD0000000, s2;
	s6 =	simm.s32 $0x108;
	_ =	swait.ge @!p0 [sflag:s8], $0x0  }
0x24: {  	s3 =	sadd.s32 $0x88, s3;
	s6 =	simm.s32 @!p1 $0x1082;
	[sflag:s4] =	ssyncset.s32 $0xFFFFF086  }
0x25: {  	[simem:s6], [sflag:s4] =	dma.local [hbm:s3], $0xF7A  }
0x26: {  	[smem:$0x3F98] =	sst s1;
	(tag) =	ssettag s2;
	_ =	strace s9  }
0x27: {  	s1 =	sld [smem:$0x3FA8]  }
0x28: {  	s2 =	sld [smem:$0x3FA9]  }
0x29: {  	s4 =	sld [smem:$0x3FAB]  }
0x2a: {  	p0 =	seq.s32 s5, $0x0;
	s5 =	sld [smem:$0x3FAC]  }
0x2b: {  	s6 =	sld [smem:$0x3FAD]  }
0x2c: {  	s7 =	sld [smem:$0x3FAE]  }
0x2d: {  	s3 =	simm.s32 $0x108;
	s8 =	sld [smem:$0x3FAF]  }
0x2e: {  	s3 =	simm.s32 @!p0 $0x1082;
	s9 =	sld [smem:$0x3FB0]  }
0x2f: {  	lr =	sadd.s32 s0, s3;
	s0 =	sld [smem:$0x3FA7]  }
0x30: {  	s3 =	sld [smem:$0x3FAA]  }
0x31: {  	[smem:$0x3FB3] =	sst s10  }
0x32: {  	s10 =	sld [smem:$0x3FB1];
	_ =	sdelay $0x3  }
0x33: {  	p0 =	seq.s32 s10, $0x1;
	s10 =	sld [smem:$0x3FB3];
	_ =	sdelay $0x3  }
0x34: {  	[smem:$0x3FB3] =	sst s10  }
0x35: {  	s10 =	sld [smem:$0x3FB2];
	_ =	sdelay $0x3  }
0x36: {  	p1 =	seq.s32 s10, $0x1;
	s10 =	sld [smem:$0x3FB3];
	_ =	sdelay $0x3  }
0x37: {  	[smem:$0x3FB3] =	sst s10  }
0x38: {  	s10 =	sld [smem:$0x3FB4]  }
0x39: {  	_ = 	snop;
	(pc) =	sbr.ind lr, $3  }
0x3a: {  	_ = 	snop  }
0x3b: {  	_ = 	snop  }
0x3c: {  	p2 =	seq.s32 s10, $0x1;
	s10 =	sld [smem:$0x3FB3]  }
0x3d: {  	_ =	shalt  }
0x3e: {  	_ =	shalt  }
0x3f: {  	_ =	shalt  }
0x40: {  	_ =	shalt  }
0x41: {  	_ =	shalt  }
0x42: {  	_ =	shalt  }
0x43: {  	_ =	shalt  }
0x44: {  	_ =	shalt  }
0x45: {  	_ =	shalt  }
0x46: {  	_ =	shalt  }
0x47: {  	_ =	shalt  }
0x48: {  	_ =	shalt  }
0x49: {  	_ =	shalt  }
0x4a: {  	_ =	shalt  }
0x4b: {  	_ =	shalt  }
0x4c: {  	_ =	shalt  }
0x4d: {  	_ =	shalt  }
0x4e: {  	_ =	shalt  }
0x4f: {  	_ =	shalt  }
0x50: {  	_ =	shalt  }
0x51: {  	_ =	shalt  }
0x52: {  	_ =	shalt  }
0x53: {  	_ =	shalt  }
0x54: {  	_ =	shalt  }
0x55: {  	_ =	shalt  }
0x56: {  	_ =	shalt  }
0x57: {  	_ =	shalt  }
0x58: {  	_ =	shalt  }
0x59: {  	_ =	shalt  }
0x5a: {  	_ =	shalt  }
0x5b: {  	_ =	shalt  }
0x5c: {  	_ =	shalt  }
0x5d: {  	_ =	shalt  }
0x5e: {  	_ =	shalt  }
0x5f: {  	_ =	shalt  }
0x60: {  	_ =	shalt  }
0x61: {  	_ =	shalt  }
0x62: {  	_ =	shalt  }
0x63: {  	_ =	shalt  }
0x64: {  	_ =	shalt  }
0x65: {  	_ =	shalt  }
0x66: {  	_ =	shalt  }
0x67: {  	_ =	shalt  }
0x68: {  	_ =	shalt  }
0x69: {  	_ =	shalt  }
0x6a: {  	_ =	shalt  }
0x6b: {  	_ =	shalt  }
0x6c: {  	_ =	shalt  }
0x6d: {  	_ =	shalt  }
0x6e: {  	_ =	shalt  }
0x6f: {  	_ =	shalt  }
0x70: {  	_ =	shalt  }
0x71: {  	_ =	shalt  }
0x72: {  	_ =	shalt  }
0x73: {  	_ =	shalt  }
0x74: {  	_ =	shalt  }
0x75: {  	_ =	shalt  }
0x76: {  	_ =	shalt  }
0x77: {  	_ =	shalt  }
0x78: {  	_ =	shalt  }
0x79: {  	_ =	shalt  }
0x7a: {  	_ =	shalt  }
0x7b: {  	_ =	shalt  }
0x7c: {  	_ =	shalt  }
0x7d: {  	_ =	shalt  }
0x7e: {  	_ =	shalt  }
0x7f: {  	_ =	shalt  }
0x80: {  	_ =	shalt  }
0x81: {  	_ =	shalt  }
0x82: {  	_ =	shalt  }
0x83: {  	_ =	shalt  }
0x84: {  	_ =	shalt  }
0x85: {  	_ =	shalt  }
0x86: {  	_ =	shalt  }
0x87: {  	_ =	shalt  }
.Lfunc_end0:
.L_simem_size_0:
called_computation_lowered:
.L_overlay_start_0:
0x88: {  	s2 =	sld [smem:$0x3FD9]  }
0x89: {  	s3 =	sld [smem:$0x3FFE];
	_ =	sdelay $0x1  }
0x8a: {  	s1 =	srdreg.scid  }
0x8b: {  	s0 =	sand.u32 $0x1, s1  }
0x8c: {  	s17 =	sshll.u32 s0, $0xA;
	s2 =	sadd.s32 s3, s2  }
0x8d: {  	s2 =	sadd.s32 s2, s17  }
0x8e: {  	[smem:$0x3FBF] =	sst s2  }
0x8f: {  	_ = 	snop  }
0x90: {  	s2 =	sld [smem:$0x3FD0];
	(tm) =	ssettm $0x1  }
0x91: {  	s18 =	sld [smem:$0x3FFB];
	_ =	sdelay $0x3  }
0x92: {  	_ =	strace s18  }
0x93: {  	s3 =	sld [smem:$0x3FFC];
	_ =	sdelay $0x3  }
0x94: {  	_ =	strace s3  }
0x95: {  	s3 =	sld [smem:$0x3FFD];
	_ =	sdelay $0x3  }
0x96: {  	_ =	strace s3  }
0x97: {  	_ =	strace $0x8FFFFFFF  }
0x98: {  	s19 =	sld [smem:$0x3FDB];
	_ =	sdelay $0x1  }
0x99: {  	s4 =	simm.s32 $_scs_section_size  }
0x9a: {  	s5 =	simm.s32 $_size__tile_overlayer_lowered;
	s6 =	simm.s32 $_tile_overlayer_lowered  }
0x9b: {  	s22 =	simm.s32 $0x1BFF;
	s21 =	sshll.u32 s6, $0x1;
	s3 =	sadd.s32 s4, s19  }
0x9c: {  	s7 =	simm.s32 $0x0;
	s20 =	sshll.u32 s5, $0x1;
	s5 =	sadd.s32 s21, s3  }
0x9d: {  	[timem:s7], [sflag:s22] =	dma.local [hbm:s5], s20  }
0x9e: {  	_ =	swait.ge [sflag:s22], s20  }
0x9f: {  	s4 =	ssub.s32 $0x0, s20;
	[sflag:s22] =	ssyncset.done $0x0  }
0xa0: {  	[sflag:s22] =	ssyncadd.s32 s4;
	_ =	sdelay $0x1  }
0xa1: {  	s23 =	simm.s32 $0x1B8B  }
0xa2: {  	_ =	swait.ge [sflag:s23], $0x1  }
0xa3: {  	[sflag:s23] =	ssyncset.done $0x0  }
0xa4: {  	s25 =	simm.s32 $0x1B8E;
	s24 =	sld [smem:$0x3FFE];
	[sflag:s23] =	ssyncadd.s32 $0xFFFFFFFF  }
0xa5: {  	s26 =	simm.s32 $execute0_lowered;
	[smem:$0x3FD2] =	sst s25  }
0xa6: {  	s5 =	sshll.u32 s26, $0x1;
	_ =	strace $0x80000046;
	[dreg:$0x1] =	wrdreg $0xFFFFFFFF  }
0xa7: {  	s28 =	simm.s32 $_size_execute0_lowered;
	s3 =	sadd.s32 s3, s5;
	[dreg:$0x0] =	wrdreg $0x0  }
0xa8: {  	s5 =	sshll.u32 s28, $0x1;
	[dreg:$0x2] =	wrdreg s3  }
0xa9: {  	[dreg:$0x3] =	wrdreg s5  }
0xaa: {  	[dreg:$0x4] =	wrdreg $0xC0  }
0xab: {  	_ =	task [dreg:s7], $0x5FFFF  }
0xac: {  	[dreg:$0x1] =	wrdreg $0xFFFFFFFF  }
0xad: {  	[dreg:$0x0] =	wrdreg $0x60  }
0xae: {  	[dreg:$0x2] =	wrdreg s24  }
0xaf: {  	[dreg:$0x3] =	wrdreg s2  }
0xb0: {  	[dreg:$0x4] =	wrdreg $0x9  }
0xb1: {  	_ =	task.clear_ibuf [dreg:s7], $0x5FFFF;
	_ =	strace $0x90000046  }
0xb2: {  	s29 =	simm.s32 $0x9;
	_ =	strace $0x80000048  }
0xb3: {  	_ =	swait.ge [sflag:s29], $0x1  }
0xb4: {  	[sflag:s29] =	ssyncadd.s32 $0xFFFFFFFF  }
0xb5: {  	_ =	strace $0x90000048  }
0xb6: {  	_ =	sfence  }
0xb7: {  	s30 =	sld [smem:$0x0];
	_ =	sdelay $0x2  }
0xb8: {  	s31 =	sshll.u32 s1, $0xD;
	s1 =	sshrl.u32 s1, $0x2  }
0xb9: {  	s3 =	sand.u32 $0x4000, s31;
	s1 =	sadd.s32 s1, s30  }
0xba: {  	s0 =	sor.u32 s3, s0;
	s1 =	sshll.u32 s1, $0x11  }
0xbb: {  	s0 =	sor.u32 s1, s0  }
0xbc: {  	s0 =	sadd.s32 $0x8F2B, s0  }
0xbd: {  	[sflag:s0] =	ssyncadd.remote.s32 $0x1  }
0xbe: {  	_ =	sfence.sel $0xFFFF  }
0xbf: {  	[dreg:$0x0] =	wrdreg $0xFFFFFFFF;
	(pc) =	sbr.abs _section_cstart, $3  }
0xc0: {  	[dreg:$0x1] =	wrdreg $0xFFFFFFFF  }
0xc1: {  	_ =	task.clear_ibuf [dreg:s7], $0x2FFFF;
	_ =	strace $0x9FFFFFFF  }
0xc2: {  	(tm) =	ssettm $0x7FFFFFFF  }
0xc3: {  	_ =	shalt  }
tec
execute0_lowered:
.L_overlay_start_1:
0x0: {  	(tag) =	ssettag $0x1  }
0x1: {  	s0 =	rddreg [dreg:$0x0]  }
0x2: {  	s1 =	rddreg [dreg:$0x1];
	s2 =	simm.s32 $0x0  }
0x3: {  	s3 =	srdreg.scid;
	s5 =	stileid.u32;
	s21 =	simm.s32 $0x1  }
0x4: {  	s22 =	simm.s32 $0x1800;
	s23 =	simm.s32 $0x3800;
	s24 =	simm.s32 $0x1C00  }
0x5: {  	s25 =	simm.s32 $0x3C00;
	s26 =	simm.s32 $0x4000;
	s28 =	simm.s32 $0x0  }
0x6: {  	[smem:$0x7FF] =	sst s2;
	s3 =	sand.u32 $0x1, s3;
	s5 =	sshll.u32 s5, $0x8  }
0x7: {  	s17 =	sadd.s32 $0xC00, s0;
	s4 =	ssub.s32 $0x2, s3;
	s3 =	sshll.u32 s3, $0x7  }
0x8: {  	s0 =	sadd.s32 $0x8C00, s0;
	s6 =	sshrl.u32 s4, $0x1;
	s19 =	sor.u32 s3, s5  }
0x9: {  	_ =	strace $0x80000047;
	s20 =	ssub.s32 s4, s6;
	s31 =	sor.u32 $0x1000, s19  }
0xa: {  	s3 =	sadd.s32 s17, s19;
	s4 =	sadd.s32 s0, s19;
	s8 =	sor.u32 $0x2000, s19  }
0xb: {  	s10 =	sor.u32 $0x3000, s19;
	s12 =	sor.u32 $0x4000, s19;
	s14 =	sor.u32 $0x5000, s19  }
0xc: {  	s16 =	sor.u32 $0x6000, s19;
	s18 =	sor.u32 $0x7000, s19;
	s19 =	sadd.s32 s1, s19  }
0xd: {  	s5 =	sadd.s32 s17, s31;
	s6 =	sadd.s32 s0, s31;
	s7 =	sadd.s32 s17, s8  }
0xe: {  	s8 =	sadd.s32 s0, s8;
	s9 =	sadd.s32 s17, s10;
	s10 =	sadd.s32 s0, s10  }
0xf: {  	s11 =	sadd.s32 s17, s12;
	s12 =	sadd.s32 s0, s12;
	s13 =	sadd.s32 s17, s14  }
0x10: {  	s14 =	sadd.s32 s0, s14;
	s15 =	sadd.s32 s17, s16;
	s16 =	sadd.s32 s0, s16  }
0x11: {  	v0 =	vimm.f32 $0.0e+00;
	s17 =	sadd.s32 s17, s18;
	s18 =	sadd.s32 s0, s18;
	s20 =	smax.u32 s20, $0x1  }
.LBB2_1:
0x12: {  	[tilespmem:s2], [sflag:$0x1] =	stream.linear.gather [hbm4b:s3+s2], $0x400, $0x38;
	[tilespmem:$0x4400] =	vst v63  }
0x13: {  	_ =	swait.ge [sflag:s21], $0x400  }
0x14: {  	[sflag:s21] =	ssyncset.done $0x0  }
0x15: {  	s0 =	simm.s32 $0x2000;
	[sflag:s21] =	ssyncadd.s32 $0xFFFFFC00  }
0x16: {  	[tilespmem:s0], [sflag:$0x1] =	stream.linear.gather [hbm4b:s4+s2], $0x400, $0x38;
	[tilespmem:$0x4400] =	vst v63  }
0x17: {  	_ =	swait.ge [sflag:s21], $0x400  }
0x18: {  	[sflag:s21] =	ssyncset.done $0x0  }
0x19: {  	s1 =	simm.s32 $0x400;
	[sflag:s21] =	ssyncadd.s32 $0xFFFFFC00  }
0x1a: {  	[tilespmem:s1], [sflag:$0x1] =	stream.linear.gather [hbm4b:s5+s2], $0x400, $0x38;
	[tilespmem:$0x4400] =	vst v63  }
0x1b: {  	_ =	swait.ge [sflag:s21], $0x400  }
0x1c: {  	[sflag:s21] =	ssyncset.done $0x0  }
0x1d: {  	s1 =	simm.s32 $0x2400;
	[sflag:s21] =	ssyncadd.s32 $0xFFFFFC00  }
0x1e: {  	[tilespmem:s1], [sflag:$0x1] =	stream.linear.gather [hbm4b:s6+s2], $0x400, $0x38;
	[tilespmem:$0x4400] =	vst v63  }
0x1f: {  	_ =	swait.ge [sflag:s21], $0x400  }
0x20: {  	[sflag:s21] =	ssyncset.done $0x0  }
0x21: {  	s1 =	simm.s32 $0x800;
	[sflag:s21] =	ssyncadd.s32 $0xFFFFFC00  }
0x22: {  	[tilespmem:s1], [sflag:$0x1] =	stream.linear.gather [hbm4b:s7+s2], $0x400, $0x38;
	[tilespmem:$0x4400] =	vst v63  }
0x23: {  	_ =	swait.ge [sflag:s21], $0x400  }
0x24: {  	[sflag:s21] =	ssyncset.done $0x0  }
0x25: {  	s1 =	simm.s32 $0x2800;
	[sflag:s21] =	ssyncadd.s32 $0xFFFFFC00  }
0x26: {  	[tilespmem:s1], [sflag:$0x1] =	stream.linear.gather [hbm4b:s8+s2], $0x400, $0x38;
	[tilespmem:$0x4400] =	vst v63  }
0x27: {  	_ =	swait.ge [sflag:s21], $0x400  }
0x28: {  	[sflag:s21] =	ssyncset.done $0x0  }
0x29: {  	s1 =	simm.s32 $0xC00;
	[sflag:s21] =	ssyncadd.s32 $0xFFFFFC00  }
0x2a: {  	[tilespmem:s1], [sflag:$0x1] =	stream.linear.gather [hbm4b:s9+s2], $0x400, $0x38;
	[tilespmem:$0x4400] =	vst v63  }
0x2b: {  	_ =	swait.ge [sflag:s21], $0x400  }
0x2c: {  	[sflag:s21] =	ssyncset.done $0x0  }
0x2d: {  	s1 =	simm.s32 $0x2C00;
	[sflag:s21] =	ssyncadd.s32 $0xFFFFFC00  }
0x2e: {  	[tilespmem:s1], [sflag:$0x1] =	stream.linear.gather [hbm4b:s10+s2], $0x400, $0x38;
	[tilespmem:$0x4400] =	vst v63  }
0x2f: {  	_ =	swait.ge [sflag:s21], $0x400  }
0x30: {  	[sflag:s21] =	ssyncset.done $0x0  }
0x31: {  	s1 =	simm.s32 $0x1000;
	[sflag:s21] =	ssyncadd.s32 $0xFFFFFC00  }
0x32: {  	[tilespmem:s1], [sflag:$0x1] =	stream.linear.gather [hbm4b:s11+s2], $0x400, $0x38;
	[tilespmem:$0x4400] =	vst v63  }
0x33: {  	_ =	swait.ge [sflag:s21], $0x400  }
0x34: {  	[sflag:s21] =	ssyncset.done $0x0  }
0x35: {  	s1 =	simm.s32 $0x3000;
	[sflag:s21] =	ssyncadd.s32 $0xFFFFFC00  }
0x36: {  	[tilespmem:s1], [sflag:$0x1] =	stream.linear.gather [hbm4b:s12+s2], $0x400, $0x38;
	[tilespmem:$0x4400] =	vst v63  }
0x37: {  	_ =	swait.ge [sflag:s21], $0x400  }
0x38: {  	[sflag:s21] =	ssyncset.done $0x0  }
0x39: {  	s1 =	simm.s32 $0x1400;
	[sflag:s21] =	ssyncadd.s32 $0xFFFFFC00  }
0x3a: {  	[tilespmem:s1], [sflag:$0x1] =	stream.linear.gather [hbm4b:s13+s2], $0x400, $0x38;
	[tilespmem:$0x4400] =	vst v63  }
0x3b: {  	_ =	swait.ge [sflag:s21], $0x400  }
0x3c: {  	[sflag:s21] =	ssyncset.done $0x0  }
0x3d: {  	s1 =	simm.s32 $0x3400;
	[sflag:s21] =	ssyncadd.s32 $0xFFFFFC00  }
0x3e: {  	[tilespmem:s1], [sflag:$0x1] =	stream.linear.gather [hbm4b:s14+s2], $0x400, $0x38;
	[tilespmem:$0x4400] =	vst v63  }
0x3f: {  	_ =	swait.ge [sflag:s21], $0x400  }
0x40: {  	[sflag:s21] =	ssyncset.done $0x0  }
0x41: {  	[sflag:s21] =	ssyncadd.s32 $0xFFFFFC00  }
0x42: {  	[tilespmem:s22], [sflag:$0x1] =	stream.linear.gather [hbm4b:s15+s2], $0x400, $0x38;
	[tilespmem:$0x4400] =	vst v63  }
0x43: {  	_ =	swait.ge [sflag:s21], $0x400  }
0x44: {  	[sflag:s21] =	ssyncset.done $0x0  }
0x45: {  	[sflag:s21] =	ssyncadd.s32 $0xFFFFFC00  }
0x46: {  	[tilespmem:s23], [sflag:$0x1] =	stream.linear.gather [hbm4b:s16+s2], $0x400, $0x38;
	[tilespmem:$0x4400] =	vst v63  }
0x47: {  	_ =	swait.ge [sflag:s21], $0x400  }
0x48: {  	[sflag:s21] =	ssyncset.done $0x0  }
0x49: {  	[sflag:s21] =	ssyncadd.s32 $0xFFFFFC00  }
0x4a: {  	[tilespmem:s24], [sflag:$0x1] =	stream.linear.gather [hbm4b:s17+s2], $0x400, $0x38;
	[tilespmem:$0x4400] =	vst v63  }
0x4b: {  	_ =	swait.ge [sflag:s21], $0x400  }
0x4c: {  	[sflag:s21] =	ssyncset.done $0x0  }
0x4d: {  	[sflag:s21] =	ssyncadd.s32 $0xFFFFFC00  }
0x4e: {  	[tilespmem:s25], [sflag:$0x1] =	stream.linear.gather [hbm4b:s18+s2], $0x400, $0x38;
	[tilespmem:$0x4400] =	vst v63  }
0x4f: {  	_ =	swait.ge [sflag:s21], $0x400  }
0x50: {  	[sflag:s21] =	ssyncset.done $0x0  }
0x51: {  	s30 =	simm.s32 $0x0;
	[sflag:s21] =	ssyncadd.s32 $0xFFFFFC00  }
0x52: {  	v1 =	vld [tilespmem:s30+$0x400]  }
0x53: {  	v3 =	vld [tilespmem:s30+$0x0];
	_ =	sdelay $0x1  }
0x54: {  	v4 =	vld [tilespmem:s30+$0x800];
	_ =	sdelay $0x1  }
0x55: {  	v5 =	vld [tilespmem:s30+$0xC00]  }
0x56: {  	vm0 =	vgt.f32 v1, v3  }
0x57: {  	v6 =	vld [tilespmem:s30+$0x1000];
	v2 =	vsel vm0, v1, v3  }
0x58: {  	vm1 =	vgt.f32 v4, v2  }
0x59: {  	v7 =	vld [tilespmem:s30+$0x1400];
	v2 =	vsel vm1, v4, v2  }
0x5a: {  	vm2 =	vgt.f32 v5, v2  }
0x5b: {  	v8 =	vld [tilespmem:s30+$0x1800];
	v9 =	vsel vm2, v5, v2  }
0x5c: {  	vm3 =	vgt.f32 v6, v9  }
0x5d: {  	v10 =	vsel vm0, $0x3F800000, v0;
	v2 =	vld [tilespmem:s30+$0x1C00];
	v9 =	vsel vm3, v6, v9  }
0x5e: {  	v10 =	vsel vm1, $0x40000000, v10;
	vm0 =	vgt.f32 v7, v9  }
0x5f: {  	v10 =	vsel vm2, $0x40400000, v10;
	v9 =	vsel vm0, v7, v9  }
0x60: {  	v10 =	vsel vm3, $0x40800000, v10;
	vm1 =	vgt.f32 v8, v9  }
0x61: {  	v10 =	vsel vm0, $0x40A00000, v10;
	v11 =	vsel vm1, v8, v9  }
0x62: {  	v9 =	vsel vm1, $0x40C00000, v10;
	vm0 =	vgt.f32 v2, v11  }
0x63: {  	vm2 =	vgt.f32 v3, $-Inf;
	v9 =	vsel vm0, $0x40E00000, v9  }
0x64: {  	vm1 =	vlt.f32 v3, $-Inf;
	vm3 =	vlt.f32 v9, $0.0e+00;
	vm4 =	vgt.f32 v9, $0.0e+00  }
0x65: {  	s29 =	simm.s32 $0x10;
	vm1 =	vmor vm2, vm1;
	vm3 =	vmor vm4, vm3  }
0x66: {  	v12 =	vld [tilespmem:s29+$0x0];
	vm2 =	vlt.f32 v9, $6.000000000e+00;
	vm1 =	vmand vm1, vm3  }
0x67: {  	v10 =	vld [tilespmem:s29+$0x400];
	vm3 =	vlt.f32 v9, $1.000000000e+00;
	v3 =	vnsel vm1, $0xFF800000, v3;
	vm1 =	vgt.f32 v9, $1.000000000e+00  }
0x68: {  	vm6 =	vgt.f32 v9, $6.000000000e+00;
	vm5 =	vgt.f32 v1, v3;
	vm3 =	vmor vm1, vm3  }
0x69: {  	vm7 =	vgt.f32 v9, $2.000000000e+00;
	vm8 =	vlt.f32 v9, $4.000000000e+00;
	vm3 =	vmand vm3, vm5  }
0x6a: {  	vm9 =	vlt.f32 v9, $3.000000000e+00;
	vm5 =	vlt.f32 v9, $2.000000000e+00;
	v1 =	vsel vm3, v1, v3  }
0x6b: {  	v13 =	vld [tilespmem:s29+$0x800];
	vm4 =	vgt.f32 v9, $4.000000000e+00;
	vm5 =	vmor vm7, vm5;
	vm7 =	vgt.f32 v4, v1  }
0x6c: {  	vm4 =	vmor vm4, vm8;
	vm8 =	vgt.f32 v10, v12;
	vm5 =	vmand vm5, vm7  }
0x6d: {  	v15 =	vsel vm8, v10, v12;
	vm7 =	vgt.f32 v9, $3.000000000e+00;
	v1 =	vsel vm5, v4, v1;
	v4 =	vld [tilespmem:s29+$0xC00]  }
0x6e: {  	v3 =	vsel vm3, $0x3F800000, v0;
	vm7 =	vmor vm7, vm9;
	vm3 =	vgt.f32 v5, v1  }
0x6f: {  	v14 =	vld [tilespmem:s29+$0x1000];
	v17 =	vsel vm8, $0x3F800000, v0;
	vm1 =	vlt.f32 v9, $5.000000000e+00;
	vm7 =	vmand vm7, vm3  }
0x70: {  	vm3 =	vmor vm6, vm2;
	vm6 =	vgt.f32 v13, v15;
	v1 =	vsel vm7, v5, v1  }
0x71: {  	v3 =	vsel vm5, $0x40000000, v3;
	v5 =	vld [tilespmem:s29+$0x1400];
	v15 =	vsel vm6, v13, v15;
	vm5 =	vgt.f32 v6, v1  }
0x72: {  	vm9 =	vgt.f32 v9, $5.000000000e+00;
	vm4 =	vmand vm4, vm5;
	vm5 =	vgt.f32 v4, v15  }
0x73: {  	vm1 =	vmor vm9, vm1;
	vm2 =	vlt.f32 v9, $7.000000000e+00;
	v15 =	vsel vm5, v4, v15  }
0x74: {  	v3 =	vsel vm7, $0x40400000, v3;
	v1 =	vsel vm4, v6, v1;
	v6 =	vld [tilespmem:s29+$0x1800];
	vm7 =	vgt.f32 v14, v15  }
0x75: {  	v16 =	vsel vm4, $0x40800000, v3;
	vm4 =	vgt.f32 v7, v1;
	v15 =	vsel vm7, v14, v15  }
0x76: {  	v17 =	vsel vm6, $0x40000000, v17;
	v3 =	vld [tilespmem:s29+$0x1C00];
	vm1 =	vmand vm1, vm4;
	vm4 =	vgt.f32 v5, v15  }
0x77: {  	v1 =	vsel vm1, v7, v1;
	v7 =	vsel vm5, $0x40400000, v17;
	v16 =	vsel vm1, $0x40A00000, v16  }
0x78: {  	v15 =	vsel vm4, v5, v15;
	v7 =	vsel vm7, $0x40800000, v7;
	vm5 =	vgt.f32 v8, v1  }
0x79: {  	vm1 =	vgt.f32 v6, v15;
	v7 =	vsel vm4, $0x40A00000, v7;
	vm3 =	vmand vm3, vm5  }
0x7a: {  	vm4 =	vlt.f32 v12, $-Inf;
	vm5 =	vgt.f32 v12, $-Inf;
	v15 =	vsel vm1, v6, v15  }
0x7b: {  	v7 =	vsel vm1, $0x40C00000, v7;
	v8 =	vsel vm3, v8, v1;
	vm1 =	vgt.f32 v3, v15  }
0x7c: {  	v1 =	vsel vm1, $0x40E00000, v7;
	v7 =	vsel vm3, $0x40C00000, v16;
	vm3 =	vmor vm5, vm4  }
0x7d: {  	vm5 =	vgt.f32 v9, $7.000000000e+00;
	vm6 =	vlt.f32 v1, $0.0e+00;
	vm7 =	vgt.f32 v1, $0.0e+00  }
0x7e: {  	v11 =	vsel vm0, v2, v11;
	vm2 =	vmor vm5, vm2;
	vm4 =	vmor vm7, vm6  }
0x7f: {  	vm5 =	vlt.f32 v1, $6.000000000e+00;
	vm8 =	vlt.f32 v1, $4.000000000e+00;
	vm0 =	vmand vm3, vm4  }
0x80: {  	vm3 =	vlt.f32 v1, $1.000000000e+00;
	v12 =	vnsel vm0, $0xFF800000, v12;
	vm0 =	vgt.f32 v1, $1.000000000e+00  }
0x81: {  	vm9 =	vlt.f32 v1, $3.000000000e+00;
	vm4 =	vgt.f32 v10, v12;
	vm0 =	vmor vm0, vm3  }
0x82: {  	vm6 =	vgt.f32 v1, $4.000000000e+00;
	vm7 =	vgt.f32 v1, $6.000000000e+00;
	vm0 =	vmand vm0, vm4  }
0x83: {  	vm3 =	vlt.f32 v1, $2.000000000e+00;
	vm4 =	vgt.f32 v1, $2.000000000e+00;
	v10 =	vsel vm0, v10, v12  }
0x84: {  	vm6 =	vmor vm6, vm8;
	vm3 =	vmor vm4, vm3;
	vm4 =	vgt.f32 v13, v10  }
0x85: {  	s31 =	simm.s32 $0x20;
	vm5 =	vmor vm7, vm5;
	vm3 =	vmand vm3, vm4;
	vm4 =	vgt.f32 v1, $3.000000000e+00  }
0x86: {  	v12 =	vld [tilespmem:s31+$0x400];
	v10 =	vsel vm3, v13, v10;
	vm4 =	vmor vm4, vm9;
	vm9 =	vgt.f32 v2, v8  }
0x87: {  	v16 =	vsel vm0, $0x3F800000, v0;
	v13 =	vld [tilespmem:s31+$0x0];
	vm8 =	vgt.f32 v4, v10;
	vm2 =	vmand vm2, vm9  }
0x88: {  	vm0 =	vlt.f32 v1, $7.000000000e+00;
	vm4 =	vmand vm4, vm8;
	v2 =	vsel vm2, v2, v8  }
0x89: {  	v17 =	vld [tilespmem:s31+$0x800];
	vm9 =	vgt.f32 v1, $5.000000000e+00;
	v4 =	vsel vm4, v4, v10;
	v2 =	vsub.f32 v2, v11  }
0x8a: {  	vm8 =	vlt.f32 v1, $5.000000000e+00;
	v20 =	vsel vm2, $0x40E00000, v7;
	vm10 =	vgt.f32 v14, v4  }
0x8b: {  	v18 =	vld [tilespmem:s31+$0xC00];
	vm8 =	vmor vm9, vm8;
	vm6 =	vmand vm6, vm10;
	v2 =	vmul.f32 $1.442695020e+00, v2  }
0x8c: {  	vm15 =	veq.f32 v20, $6.000000000e+00;
	vm7 =	vgt.f32 v12, v13;
	v4 =	vsel vm6, v14, v4  }
0x8d: {  	v14 =	vld [tilespmem:s31+$0x1000];
	v8 =	vsel vm7, v12, v13;
	vm9 =	vgt.f32 v5, v4;
	(erf) = vpow2.f32 v2  }
0x8e: {  	vm10 =	veq.f32 v9, $6.000000000e+00;
	vm8 =	vmand vm8, vm9;
	vm9 =	vgt.f32 v17, v8  }
0x8f: {  	v2 =	vsel vm3, $0x40000000, v16;
	v16 =	vld [tilespmem:s31+$0x1400];
	v4 =	vsel vm8, v5, v4;
	v5 =	vsel vm9, v17, v8  }
0x90: {  	v2 =	vsel vm4, $0x40400000, v2;
	vm3 =	vgt.f32 v6, v4;
	vm4 =	vgt.f32 v18, v5  }
0x91: {  	v19 =	vld [tilespmem:s31+$0x1800];
	v2 =	vsel vm6, $0x40800000, v2;
	vm3 =	vmand vm5, vm3;
	v8 =	vsel vm4, v18, v5  }
0x92: {  	v2 =	vsel vm8, $0x40A00000, v2;
	v5 =	vsel vm3, v6, v4;
	vm5 =	vgt.f32 v14, v8  }
0x93: {  	v7 =	vld [tilespmem:s31+$0x1C00];
	v6 =	vsel vm7, $0x3F800000, v0;
	v4 =	vsel vm3, $0x40C00000, v2;
	v8 =	vsel vm5, v14, v8  }
0x94: {  	vm3 =	vgt.f32 v1, $7.000000000e+00;
	v2 =	vsel vm9, $0x40000000, v6;
	vm2 =	vgt.f32 v16, v8  }
0x95: {  	vm7 =	veq.f32 v9, $4.000000000e+00;
	v2 =	vsel vm4, $0x40400000, v2;
	v8 =	vsel vm2, v16, v8  }
0x96: {  	v6 =	vsel vm1, v3, v15;
	v2 =	vsel vm5, $0x40800000, v2;
	vm1 =	vgt.f32 v19, v8;
	v10 =	vpop (erf)  }
0x97: {  	v2 =	vsel vm2, $0x40A00000, v2;
	v8 =	vsel vm1, v19, v8;
	v10 =	vadd.f32 $1.000000000e+00, v10  }
0x98: {  	vm9 =	vmor vm3, vm0;
	v2 =	vsel vm1, $0x40C00000, v2;
	vm6 =	vgt.f32 v7, v8  }
0x99: {  	vm0 =	vlt.f32 v13, $-Inf;
	v2 =	vsel vm6, $0x40E00000, v2;
	(erf) = vrcp.f32 v10  }
0x9a: {  	vm1 =	vgt.f32 v13, $-Inf;
	vm2 =	vlt.f32 v2, $0.0e+00;
	vm3 =	vgt.f32 v2, $0.0e+00  }
0x9b: {  	vm0 =	vmor vm1, vm0;
	vm1 =	vmor vm3, vm2;
	vm2 =	vlt.f32 v2, $1.000000000e+00  }
0x9c: {  	vm3 =	vlt.f32 v2, $4.000000000e+00;
	vm0 =	vmand vm0, vm1;
	vm1 =	vgt.f32 v2, $4.000000000e+00  }
0x9d: {  	v10 =	vnsel vm0, $0xFF800000, v13;
	vm0 =	vgt.f32 v2, $1.000000000e+00;
	vm1 =	vmor vm1, vm3  }
0x9e: {  	vm3 =	vlt.f32 v2, $3.000000000e+00;
	vm4 =	vgt.f32 v12, v10;
	vm0 =	vmor vm0, vm2  }
0x9f: {  	vm2 =	vlt.f32 v2, $2.000000000e+00;
	vm0 =	vmand vm0, vm4;
	vm4 =	vgt.f32 v2, $3.000000000e+00  }
0xa0: {  	vm3 =	vmor vm4, vm3;
	vm4 =	vgt.f32 v2, $2.000000000e+00;
	v12 =	vsel vm0, v12, v10  }
0xa1: {  	v13 =	vsel vm0, $0x3F800000, v0;
	vm0 =	vmor vm4, vm2;
	vm2 =	vgt.f32 v17, v12  }
0xa2: {  	vm4 =	vlt.f32 v2, $6.000000000e+00;
	vm2 =	vmand vm0, vm2;
	vm0 =	vgt.f32 v2, $6.000000000e+00;
	v10 =	vpop (erf)  }
0xa3: {  	vm5 =	veq.f32 v9, $7.000000000e+00;
	vm0 =	vmor vm0, vm4;
	v11 =	vsub.f32 $1.000000000e+00, v10  }
0xa4: {  	v12 =	vsel vm2, v17, v12;
	v13 =	vsel vm2, $0x40000000, v13;
	vm2 =	veq.f32 v20, $1.000000000e+00  }
0xa5: {  	vm4 =	veq.f32 v20, $0.0e+00;
	v15 =	vnsel vm2, $0x0, v11;
	vm2 =	veq.f32 v20, $2.000000000e+00  }
0xa6: {  	v22 =	vld [tilespmem:s30+$0x2000];
	v17 =	vnsel vm4, $0x0, v11;
	v21 =	vnsel vm2, $0x0, v11;
	vm2 =	vgt.f32 v18, v12  }
0xa7: {  	vm4 =	veq.f32 v9, $0.0e+00;
	vm2 =	vmand vm3, vm2;
	vm3 =	veq.f32 v9, $1.000000000e+00  }
0xa8: {  	v17 =	vsel vm4, v10, v17;
	vm4 =	veq.f32 v9, $5.000000000e+00;
	v15 =	vsel vm3, v10, v15  }
0xa9: {  	v61 =	vld [tilespmem:s30+$0x2800];
	v12 =	vsel vm2, v18, v12;
	vm3 =	veq.f32 v9, $2.000000000e+00;
	v13 =	vsel vm2, $0x40400000, v13  }
0xaa: {  	vm2 =	vgt.f32 v14, v12;
	v18 =	vsel vm3, v10, v21;
	vm3 =	veq.f32 v9, $3.000000000e+00;
	v9 =	vld [tilespmem:s30+$0x2400]  }
0xab: {  	vm8 =	vlt.f32 v2, $7.000000000e+00;
	v17 =	vmul.f32 v17, v22;
	vm1 =	vmand vm1, vm2  }
0xac: {  	vm2 =	veq.f32 v20, $3.000000000e+00;
	v12 =	vsel vm1, v14, v12;
	v13 =	vsel vm1, $0x40800000, v13  }
0xad: {  	vm1 =	vlt.f32 v2, $5.000000000e+00;
	v14 =	vnsel vm2, $0x0, v11;
	vm2 =	vgt.f32 v2, $5.000000000e+00  }
0xae: {  	v62 =	vld [tilespmem:s30+$0x2C00];
	v18 =	vmul.f32 v18, v61;
	vm1 =	vmor vm2, vm1;
	vm2 =	vgt.f32 v16, v12  }
0xaf: {  	v14 =	vsel vm3, v10, v14;
	v9 =	vmul.f32 v15, v9;
	v15 =	vadd.f32 $0.0e+00, v17  }
0xb0: {  	vm3 =	veq.f32 v20, $7.000000000e+00;
	vm1 =	vmand vm1, vm2;
	vm2 =	veq.f32 v20, $4.000000000e+00;
	v17 =	vld [tilespmem:s30+$0x3000]  }
0xb1: {  	v63 =	vnsel vm2, $0x0, v11;
	v12 =	vsel vm1, v16, v12;
	v15 =	vadd.f32 v15, v9  }
0xb2: {  	vm2 =	vgt.f32 v19, v12;
	v9 =	vsel vm1, $0x40A00000, v13;
	v13 =	vsel vm7, v10, v63  }
0xb3: {  	vm7 =	vmand vm0, vm2;
	v16 =	vadd.f32 v15, v18;
	v18 =	vmul.f32 v14, v62  }
0xb4: {  	vm1 =	veq.f32 v20, $5.000000000e+00;
	vm0 =	vgt.f32 v3, v5;
	v12 =	vsel vm7, v19, v12;
	v14 =	vld [tilespmem:s30+$0x3400]  }
0xb5: {  	s0 =	simm.s32 $0xC0;
	v15 =	vmul.f32 v13, v17;
	v17 =	vnsel vm1, $0x0, v11;
	v13 =	vld [tilespmem:s30+$0x3800];
	v16 =	vadd.f32 v16, v18  }
.LBB2_2:
0xb6: {  	_ = 	snop  }
0xb7: {  	s1 =	sshra.s32 s0, $0x2;
	vm0 =	vmand vm9, vm0;
	v17 =	vsel vm4, v10, v17;
	v18 =	vnsel vm15, $0x0, v11  }
0xb8: {  	v20 =	vld [tilespmem:s1+$0x400];
	v21 =	vsel vm0, v3, v5;
	v22 =	vsel vm0, $0x40E00000, v4;
	v15 =	vadd.f32 v16, v15  }
0xb9: {  	v16 =	vld [tilespmem:s1+$0x0];
	v4 =	vsel vm7, $0x40C00000, v9;
	vm0 =	vgt.f32 v2, $7.000000000e+00;
	v6 =	vsub.f32 v21, v6  }
0xba: {  	v19 =	vld [tilespmem:s30+$0x3C00];
	v3 =	vmovc v7;
	v9 =	vnsel vm3, $0x0, v11;
	vm0 =	vmor vm0, vm8;
	v7 =	vmul.f32 v17, v14  }
0xbb: {  	v11 =	vmul.f32 $1.442695020e+00, v6;
	v6 =	vsel vm6, v3, v8;
	v8 =	vimm.s32 $0x0  }
0xbc: {  	v5 =	vmov v12;
	v12 =	vsel vm10, v10, v18;
	v8 =	vsel vm0, $0xFFFFFFFF, v8  }
0xbd: {  	v17 =	vld [tilespmem:s1+$0x800];
	v12 =	vmul.f32 v12, v13;
	v7 =	vadd.f32 v15, v7;
	[tilespmem:$0x1FF50] =	vst v8;
	v8 =	vsel vm5, v10, v9  }
0xbe: {  	(erf) = vpow2.f32 v11;
	vm0 =	vgt.f32 v20, v16;
	vm1 =	vlt.f32 v16, $-Inf  }
0xbf: {  	vm2 =	vgt.f32 v16, $-Inf;
	v11 =	vimm.s32 $0x0;
	v8 =	vmul.f32 v8, v19  }
0xc0: {  	v14 =	vld [tilespmem:s1+$0xC00];
	vm8 =	vmor vm2, vm1;
	vm1 =	veq.f32 v1, $7.000000000e+00;
	v7 =	vadd.f32 v7, v12  }
0xc1: {  	v15 =	vimm.s32 $0x0;
	v10 =	vsel vm0, v20, v16;
	v11 =	vsel vm1, $0xFFFFFFFF, v11  }
0xc2: {  	v7 =	vadd.f32 v7, v8;
	v8 =	vsel vm0, $0x3F800000, v0;
	vm0 =	vgt.f32 v17, v10  }
0xc3: {  	v9 =	vld [tilespmem:s1+$0x1000];
	vm1 =	veq.f32 v1, $4.000000000e+00;
	[tilespmem:$0x1FF40] =	vst v11;
	v11 =	vimm.s32 $0x0;
	v10 =	vsel vm0, v17, v10  }
0xc4: {  	v12 =	vld [tilespmem:s1+$0x1400];
	v8 =	vsel vm0, $0x40000000, v8;
	vm0 =	veq.f32 v1, $6.000000000e+00;
	[tilespmem:s30+$0x4000] =	vst v7;
	v7 =	vimm.s32 $0x0  }
0xc5: {  	v11 =	vsel vm0, $0xFFFFFFFF, v11;
	vm0 =	vgt.f32 v14, v10;
	v7 =	vsel vm1, $0xFFFFFFFF, v7  }
0xc6: {  	vm1 =	veq.f32 v1, $5.000000000e+00;
	v10 =	vsel vm0, v14, v10;
	[tilespmem:$0x1FFE0] =	vst v7;
	v7 =	vimm.s32 $0x0  }
0xc7: {  	[tilespmem:$0x1FFA0] =	vst v11;
	v11 =	vimm.s32 $0x0;
	v7 =	vsel vm1, $0xFFFFFFFF, v7;
	vm1 =	veq.f32 v1, $1.000000000e+00  }
0xc8: {  	v8 =	vsel vm0, $0x40400000, v8;
	vm0 =	veq.f32 v1, $3.000000000e+00;
	[tilespmem:$0x1FF60] =	vst v7;
	v11 =	vsel vm1, $0xFFFFFFFF, v11  }
0xc9: {  	v7 =	vimm.s32 $0x0;
	vm1 =	veq.f32 v1, $2.000000000e+00;
	[tilespmem:$0x1FF80] =	vst v11;
	v11 =	vimm.s32 $0x0  }
0xca: {  	s30 =	smov.u32 s29;
	s29 =	smov.u32 s31;
	s31 =	smov.u32 s1;
	v7 =	vsel vm0, $0xFFFFFFFF, v7;
	vm0 =	vgt.f32 v9, v10;
	v11 =	vsel vm1, $0xFFFFFFFF, v11  }
0xcb: {  	v13 =	vld [tilespmem:s31+$0x1800];
	[tilespmem:$0x1FFC0] =	vst v7;
	v10 =	vsel vm0, v9, v10;
	v8 =	vsel vm0, $0x40800000, v8;
	vm0 =	veq.f32 v1, $0.0e+00  }
0xcc: {  	v1 =	vmov v2;
	v2 =	vpop (erf);
	vm1 =	veq.f32 v22, $5.000000000e+00;
	[tilespmem:$0x1FF90] =	vst v11;
	v11 =	vsel vm0, $0xFFFFFFFF, v15  }
0xcd: {  	v7 =	vld [tilespmem:s31+$0x1C00];
	vm0 =	vgt.f32 v12, v10;
	v2 =	vadd.f32 $1.000000000e+00, v2;
	[tilespmem:$0x1FF70] =	vst v11;
	v11 =	vimm.s32 $0x0  }
0xce: {  	v10 =	vsel vm0, v12, v10;
	v11 =	vsel vm1, $0xFFFFFFFF, v11;
	vm1 =	veq.f32 v22, $4.000000000e+00  }
0xcf: {  	(erf) = vrcp.f32 v2;
	[tilespmem:$0x1FFF0] =	vst v11;
	v11 =	vsel vm0, $0x40A00000, v8;
	v8 =	vimm.s32 $0x0  }
0xd0: {  	v2 =	vimm.s32 $0x0;
	vm0 =	vgt.f32 v13, v10;
	v8 =	vsel vm1, $0xFFFFFFFF, v8  }
0xd1: {  	[tilespmem:$0x1FFD0] =	vst v8;
	v8 =	vsel vm0, v13, v10;
	v10 =	vsel vm0, $0x40C00000, v11;
	vm0 =	veq.f32 v22, $3.000000000e+00  }
0xd2: {  	vm6 =	vgt.f32 v7, v8;
	v2 =	vsel vm0, $0xFFFFFFFF, v2  }
0xd3: {  	vm7 =	veq.f32 v22, $7.000000000e+00;
	[tilespmem:$0x1FFB0] =	vst v2;
	v2 =	vsel vm6, $0x40E00000, v10  }
0xd4: {  	vm3 =	veq.f32 v22, $0.0e+00;
	vm0 =	vlt.f32 v2, $0.0e+00;
	vm10 =	vgt.f32 v2, $0.0e+00  }
0xd5: {  	vm9 =	veq.f32 v22, $1.000000000e+00;
	vm11 =	vlt.f32 v2, $1.000000000e+00;
	vm0 =	vmor vm10, vm0  }
0xd6: {  	vm4 =	vlt.f32 v2, $4.000000000e+00;
	vm13 =	vlt.f32 v2, $2.000000000e+00;
	vm8 =	vmand vm8, vm0  }
0xd7: {  	vm14 =	vlt.f32 v2, $3.000000000e+00;
	v11 =	vnsel vm8, $0xFF800000, v16;
	vm8 =	vgt.f32 v2, $1.000000000e+00  }
0xd8: {  	v19 =	vld [tilespmem:$0x1FF40];
	vm10 =	vgt.f32 v2, $4.000000000e+00;
	vm5 =	vgt.f32 v20, v11;
	vm8 =	vmor vm8, vm11  }
0xd9: {  	v60 =	vld [tilespmem:$0x1FF70];
	vm10 =	vmor vm10, vm4;
	vm11 =	vgt.f32 v2, $3.000000000e+00;
	vm4 =	vmand vm8, vm5  }
0xda: {  	v10 =	vpop (erf);
	vm5 =	vgt.f32 v2, $2.000000000e+00;
	v15 =	vsel vm4, v20, v11;
	v16 =	vsel vm4, $0x3F800000, v0  }
0xdb: {  	v61 =	vld [tilespmem:$0x1FF80];
	vm4 =	vmor vm5, vm13;
	v11 =	vsub.f32 $1.000000000e+00, v10;
	vm5 =	vgt.f32 v17, v15  }
0xdc: {  	vm1 =	veq.f32 v22, $2.000000000e+00;
	vm14 =	vmor vm11, vm14;
	vm4 =	vmand vm4, vm5  }
0xdd: {  	v18 =	vld [tilespmem:s30+$0x2000];
	vm5 =	vnez.u8 v19;
	v58 =	vnsel vm3, $0x0, v11;
	vm3 =	vmmov vm7  }
0xde: {  	v19 =	vld [tilespmem:s30+$0x2400];
	v59 =	vnsel vm1, $0x0, v11;
	vm7 =	vnez.u8 v60;
	v15 =	vsel vm4, v17, v15  }
0xdf: {  	v16 =	vsel vm4, $0x40000000, v16;
	v17 =	vnsel vm9, $0x0, v11;
	vm4 =	vgt.f32 v14, v15  }
0xe0: {  	v21 =	vsel vm7, v10, v58;
	vm7 =	vnez.u8 v61;
	vm1 =	vmand vm14, vm4  }
0xe1: {  	v17 =	vsel vm7, v10, v17;
	v14 =	vsel vm1, v14, v15  }
0xe2: {  	v15 =	vsel vm1, $0x40400000, v16;
	v16 =	vmul.f32 v21, v18;
	vm1 =	vgt.f32 v9, v14  }
0xe3: {  	v17 =	vmul.f32 v17, v19;
	vm1 =	vmand vm10, vm1  }
0xe4: {  	v16 =	vadd.f32 $0.0e+00, v16;
	v9 =	vsel vm1, v9, v14;
	v14 =	vsel vm1, $0x40800000, v15;
	v15 =	vld [tilespmem:$0x1FFB0];
	_ =	sdelay $0x1  }
0xe5: {  	v16 =	vadd.f32 v16, v17;
	v17 =	vld [tilespmem:$0x1FFC0];
	_ =	sdelay $0x2  }
0xe6: {  	vm0 =	vlt.f32 v2, $5.000000000e+00;
	vm11 =	vgt.f32 v2, $5.000000000e+00;
	v18 =	vld [tilespmem:$0x1FF90];
	vm1 =	vnez.u8 v15  }
0xe7: {  	v57 =	vld [tilespmem:s30+$0x2800];
	vm0 =	vmor vm11, vm0;
	v15 =	vnsel vm1, $0x0, v11;
	vm1 =	vgt.f32 v12, v9  }
0xe8: {  	vm0 =	vmand vm0, vm1;
	vm1 =	vnez.u8 v17;
	v17 =	vld [tilespmem:$0x1FFD0]  }
0xe9: {  	v12 =	vsel vm0, v12, v9;
	v9 =	vsel vm0, $0x40A00000, v14;
	v14 =	vld [tilespmem:$0x1FFE0]  }
0xea: {  	v19 =	vld [tilespmem:s30+$0x2C00]  }
0xeb: {  	vm7 =	vnez.u8 v18  }
0xec: {  	v56 =	vld [tilespmem:$0x1FF50];
	v18 =	vsel vm7, v10, v59  }
0xed: {  	v62 =	vld [tilespmem:$0x1FFA0];
	v18 =	vmul.f32 v18, v57;
	v15 =	vsel vm1, v10, v15;
	vm1 =	vnez.u8 v17  }
0xee: {  	v23 =	vld [tilespmem:$0x1FF60];
	v17 =	vnsel vm1, $0x0, v11;
	vm1 =	vnez.u8 v14  }
0xef: {  	v16 =	vadd.f32 v16, v18;
	v18 =	vmul.f32 v15, v19;
	v15 =	vsel vm1, v10, v17;
	v17 =	vld [tilespmem:$0x1FFF0]  }
0xf0: {  	p0 =	sne.s32 s0, $0xFC0;
	v63 =	vld [tilespmem:s30+$0x3000];
	vm2 =	vlt.f32 v2, $6.000000000e+00;
	vm12 =	vgt.f32 v2, $6.000000000e+00  }
.Ltmp0:
0xf1: {  	vm15 =	veq.f32 v22, $6.000000000e+00;
	vm2 =	vmor vm12, vm2;
	(pc) =	sbr.rel @p0 .LBB2_2-.Ltmp0, $4  }
0xf2: {  	vm8 =	vlt.f32 v2, $7.000000000e+00;
	vm9 =	vnez.u8 v56;
	vm0 =	vgt.f32 v13, v12  }
0xf3: {  	vm4 =	vnez.u8 v23;
	vm10 =	vnez.u8 v62;
	vm7 =	vmand vm2, vm0  }
0xf4: {  	v12 =	vsel vm7, v13, v12;
	v16 =	vadd.f32 v16, v18;
	v13 =	vld [tilespmem:s30+$0x3800];
	vm0 =	vnez.u8 v17  }
0xf5: {  	s0 =	sadd.s32 $0x40, s0;
	v14 =	vld [tilespmem:s30+$0x3400];
	v15 =	vmul.f32 v15, v63;
	v17 =	vnsel vm0, $0x0, v11;
	vm0 =	vgt.f32 v3, v5  }
0xf6: {  	vm1 =	vmand vm9, vm0  }
0xf7: {  	v3 =	vsel vm1, v3, v5  }
0xf8: {  	v3 =	vsub.f32 v3, v6;
	_ =	sdelay $0x1  }
0xf9: {  	v3 =	vmul.f32 $1.442695020e+00, v3;
	_ =	sdelay $0x1  }
0xfa: {  	(erf) = vpow2.f32 v3;
	_ =	sdelay $0x8  }
0xfb: {  	v3 =	vpop (erf)  }
0xfc: {  	v3 =	vadd.f32 $1.000000000e+00, v3  }
0xfd: {  	v61 =	vsel vm4, v10, v17;
	v62 =	vld [tilespmem:s30+$0x3C00];
	v15 =	vadd.f32 v16, v15  }
0xfe: {  	v5 =	vmul.f32 v61, v14;
	(erf) = vrcp.f32 v3;
	v3 =	vnsel vm15, $0x0, v11  }
0xff: {  	v3 =	vsel vm10, v10, v3  }
0x100: {  	v63 =	vnsel vm3, $0x0, v11;
	v5 =	vadd.f32 v15, v5;
	v3 =	vmul.f32 v3, v13  }
0x101: {  	v13 =	vsel vm5, v10, v63  }
0x102: {  	v14 =	vmul.f32 v13, v62;
	v3 =	vadd.f32 v5, v3  }
0x103: {  	vm5 =	vgt.f32 v2, $7.000000000e+00  }
0x104: {  	vm2 =	vgt.f32 v7, v12;
	vm0 =	vmor vm5, vm8;
	v3 =	vadd.f32 v3, v14  }
0x105: {  	vm0 =	vmand vm0, vm2  }
0x106: {  	v15 =	vsel vm6, v7, v8;
	v16 =	vsel vm0, v7, v12  }
0x107: {  	v5 =	vsub.f32 v16, v15;
	[tilespmem:s30+$0x4000] =	vst v3  }
0x108: {  	v17 =	vld [tilespmem:s29+$0x2000];
	v3 =	vpop (erf)  }
0x109: {  	v4 =	vsel vm1, $0x40E00000, v4;
	v5 =	vmul.f32 $1.442695020e+00, v5;
	v18 =	vsub.f32 $1.000000000e+00, v3  }
0x10a: {  	vm11 =	veq.f32 v1, $1.000000000e+00;
	vm9 =	veq.f32 v4, $0.0e+00;
	v19 =	vld [tilespmem:s29+$0x2400]  }
0x10b: {  	vm10 =	veq.f32 v1, $0.0e+00;
	(erf) = vpow2.f32 v5;
	v21 =	vnsel vm9, $0x0, v18  }
0x10c: {  	vm13 =	veq.f32 v1, $2.000000000e+00;
	vm1 =	veq.f32 v4, $1.000000000e+00;
	v23 =	vld [tilespmem:s29+$0x2800];
	v22 =	vsel vm10, v3, v21  }
0x10d: {  	vm4 =	veq.f32 v1, $4.000000000e+00;
	v20 =	vnsel vm1, $0x0, v18;
	v5 =	vmul.f32 v22, v17  }
0x10e: {  	vm12 =	veq.f32 v4, $2.000000000e+00;
	vm14 =	veq.f32 v4, $4.000000000e+00;
	v27 =	vld [tilespmem:s29+$0x2C00];
	v25 =	vsel vm11, v3, v20  }
0x10f: {  	v24 =	vnsel vm12, $0x0, v18;
	v6 =	vmul.f32 v25, v19;
	v5 =	vadd.f32 $0.0e+00, v5  }
0x110: {  	vm15 =	veq.f32 v4, $3.000000000e+00;
	vm5 =	veq.f32 v1, $3.000000000e+00;
	v28 =	vld [tilespmem:s29+$0x3000];
	v26 =	vsel vm13, v3, v24  }
0x111: {  	v29 =	vnsel vm15, $0x0, v18;
	v10 =	vmul.f32 v26, v23;
	v5 =	vadd.f32 v5, v6  }
0x112: {  	vm6 =	veq.f32 v1, $5.000000000e+00;
	vm8 =	veq.f32 v4, $5.000000000e+00;
	v33 =	vld [tilespmem:s29+$0x3400];
	v31 =	vsel vm5, v3, v29  }
0x113: {  	v30 =	vnsel vm14, $0x0, v18;
	v6 =	vmul.f32 v31, v27;
	v5 =	vadd.f32 v5, v10  }
0x114: {  	v35 =	vld [tilespmem:s29+$0x3800];
	v34 =	vnsel vm8, $0x0, v18;
	vm9 =	veq.f32 v4, $6.000000000e+00;
	v32 =	vsel vm4, v3, v30;
	v36 =	vpop (erf)  }
0x115: {  	v8 =	vmul.f32 v32, v28;
	v38 =	vadd.f32 $1.000000000e+00, v36;
	v5 =	vadd.f32 v5, v6  }
0x116: {  	v40 =	vld [tilespmem:s29+$0x3C00];
	v37 =	vsel vm6, v3, v34;
	vm10 =	veq.f32 v1, $6.000000000e+00;
	v39 =	vnsel vm9, $0x0, v18  }
0x117: {  	(erf) = vrcp.f32 v38;
	v6 =	vmul.f32 v37, v33;
	v5 =	vadd.f32 v5, v8  }
0x118: {  	vm12 =	veq.f32 v1, $7.000000000e+00;
	vm11 =	veq.f32 v4, $7.000000000e+00;
	v41 =	vsel vm10, v3, v39  }
0x119: {  	v7 =	vnsel vm11, $0x0, v18;
	v42 =	vmul.f32 v41, v35;
	v1 =	vadd.f32 v5, v6  }
0x11a: {  	v3 =	vsel vm12, v3, v7  }
0x11b: {  	v3 =	vmul.f32 v3, v40;
	v1 =	vadd.f32 v1, v42;
	_ =	sdelay $0x1  }
0x11c: {  	v1 =	vadd.f32 v1, v3;
	_ =	sdelay $0x1  }
0x11d: {  	[tilespmem:s29+$0x4000] =	vst v1  }
0x11e: {  	v3 =	vpop (erf);
	v1 =	vsel vm7, $0x40C00000, v9;
	v43 =	vld [tilespmem:s31+$0x2000]  }
0x11f: {  	v44 =	vsub.f32 $1.000000000e+00, v3;
	v1 =	vsel vm0, $0x40E00000, v1  }
0x120: {  	v45 =	vld [tilespmem:s31+$0x2400];
	vm0 =	veq.f32 v1, $0.0e+00  }
0x121: {  	vm13 =	veq.f32 v2, $0.0e+00;
	v46 =	vnsel vm0, $0x0, v44  }
0x122: {  	vm14 =	veq.f32 v2, $1.000000000e+00;
	v47 =	vld [tilespmem:s31+$0x2800];
	vm15 =	veq.f32 v1, $1.000000000e+00;
	v7 =	vsel vm13, v3, v46  }
0x123: {  	vm5 =	veq.f32 v2, $2.000000000e+00;
	v48 =	vnsel vm15, $0x0, v44;
	v4 =	vmul.f32 v7, v43  }
0x124: {  	vm9 =	veq.f32 v2, $4.000000000e+00;
	v50 =	vld [tilespmem:s31+$0x2C00];
	vm4 =	veq.f32 v1, $2.000000000e+00;
	v9 =	vsel vm14, v3, v48  }
0x125: {  	v49 =	vnsel vm4, $0x0, v44;
	v6 =	vmul.f32 v9, v45;
	v4 =	vadd.f32 $0.0e+00, v4  }
0x126: {  	vm7 =	veq.f32 v2, $3.000000000e+00;
	v52 =	vld [tilespmem:s31+$0x3000];
	vm6 =	veq.f32 v1, $3.000000000e+00;
	v7 =	vsel vm5, v3, v49  }
0x127: {  	v51 =	vnsel vm6, $0x0, v44;
	v7 =	vmul.f32 v7, v47;
	v4 =	vadd.f32 v4, v6  }
0x128: {  	vm11 =	veq.f32 v2, $5.000000000e+00;
	v55 =	vld [tilespmem:s31+$0x3400];
	vm8 =	veq.f32 v1, $4.000000000e+00;
	v53 =	vsel vm7, v3, v51  }
0x129: {  	v54 =	vnsel vm8, $0x0, v44;
	v6 =	vmul.f32 v53, v50;
	v4 =	vadd.f32 v4, v7  }
0x12a: {  	v58 =	vld [tilespmem:s31+$0x3800];
	vm10 =	veq.f32 v1, $5.000000000e+00;
	vm12 =	veq.f32 v1, $6.000000000e+00;
	v56 =	vsel vm9, v3, v54  }
0x12b: {  	v57 =	vnsel vm10, $0x0, v44;
	v7 =	vmul.f32 v56, v52;
	v4 =	vadd.f32 v4, v6  }
0x12c: {  	v61 =	vld [tilespmem:s31+$0x3C00];
	v60 =	vnsel vm12, $0x0, v44;
	v59 =	vsel vm11, v3, v57;
	vm13 =	veq.f32 v2, $6.000000000e+00  }
0x12d: {  	vm14 =	veq.f32 v1, $7.000000000e+00;
	v62 =	vmul.f32 v59, v55;
	v1 =	vadd.f32 v4, v7  }
0x12e: {  	vm15 =	veq.f32 v2, $7.000000000e+00;
	v63 =	vsel vm13, v3, v60  }
0x12f: {  	v5 =	vnsel vm14, $0x0, v44;
	v2 =	vmul.f32 v63, v58;
	v1 =	vadd.f32 v1, v62  }
0x130: {  	v3 =	vsel vm15, v3, v5  }
0x131: {  	v1 =	vadd.f32 v1, v2;
	v2 =	vmul.f32 v3, v61;
	_ =	sdelay $0x1  }
0x132: {  	s28 =	sadd.s32 $0x1, s28;
	v1 =	vadd.f32 v1, v2  }
0x133: {  	p0 =	sne.s32 s28, s20  }
.Ltmp1:
0x134: {  	[tilespmem:s31+$0x4000] =	vst v1;
	(pc) =	sbr.rel @p0 .LBB2_1-.Ltmp1, $4  }
0x135: {  	[hbm4b:s19+s2] =	stream.linear.scatter [tilespmem:s26], [sflag:$0x1], $0x400, $0x38;
	[tilespmem:$0x4400] =	vst v63  }
0x136: {  	_ =	swait.ge [sflag:s21], $0x400  }
0x137: {  	[sflag:s21] =	ssyncset.done $0x0  }
0x138: {  	[sflag:s21] =	ssyncadd.s32 $0xFFFFFC00  }
0x139: {  	_ =	sfence.sel $0x180000  }
0x13a: {  	[bflag:$0x0] =	sbarrier.arrive $0xFFFF  }
0x13b: {  	_ =	strace $0x90000047  }
0x13c: {  	s0 =	stileid.u32;
	[bflag:$0x2] =	sbarrier.arrive $0xFFFF  }
0x13d: {  	p0 =	sne.s32 s0, $0x0;
	s0 =	rddreg [dreg:$0x2]  }
0x13e: {  	s0 =	sadd.s32 @!p0 $0x100000, s0  }
0x13f: {  	[sflag:s0] =	ssyncadd.tile.s32 @!p0 $0x1;
	_ =	shalt  }
.Lfunc_end2:
_tile_overlayer_lowered:
.L_overlay_start_2:
0x140: {  	(tag) =	ssettag $0x2  }
0x141: {  	s0 =	rddreg [dreg:$0x0];
	s2 =	stileid.u32  }
0x142: {  	s1 =	rddreg [dreg:$0x1];
	p0 =	sne.s32 s2, $0x0  }
0x143: {  	s3 =	rddreg [dreg:$0x2];
	[bflag:$0x3] =	sbarrier.arrive $0xFFFF;
	s2 =	simm.s32 @!p0 $0x1C01  }
0x144: {  	[timem:s3], [sflag:s2] =	dma.local @!p0 [hbm:s0], s1  }
0x145: {  	s0 =	simm.s32 @!p0 $0x1  }
0x146: {  	_ =	swait.ge @!p0 [sflag:s0], s1  }
0x147: {  	s1 =	ssub.s32 @!p0 $0x0, s1;
	[sflag:s0] =	ssyncset.done @!p0 $0x0  }
0x148: {  	[sflag:s0] =	ssyncadd.s32 @!p0 s1  }
0x149: {  	[bflag:$0x3] =	sbarrier.arrive $0xFFFF  }
0x14a: {  	_ =	shalt  }

</sc_bundles>
